<compile_context>
chip_gen: v7x
topology: tpu7x:2x2x1
jax: 0.10.2.dev20260603
libtpu: 0.0.44.dev20260713+nightly
codegen_flags: <defaults>
</compile_context>

<pallas_src>
import functools

import jax
import jax.numpy as jnp
from jax import lax
from jax.experimental import pallas as pl
from jax.experimental.pallas import tpu as pltpu
from jax.experimental.pallas import tpu_sc as plsc

D = 64
NC = 2
NS = 16
NW = NC * NS
CH = 128
GPS = 5
SLAB = GPS * CH


@functools.partial(jax.jit, static_argnames=("s_per",))
def _two_gathers(idx1, idx2, table, s_per):
    n = idx1.size
    mesh = plsc.VectorSubcoreMesh(
        core_axis_name="c", subcore_axis_name="s", num_cores=NC, num_subcores=NS
    )

    def body(idx1_h, idx2_h, table_h, out1_h, out2_h,
             idx_a, idx_b, rows_a, rows_b,
             gs_a, gs_b, os_a, os_b, is_a, is_b):
        w = lax.axis_index("s") * NC + lax.axis_index("c")
        idx_bufs = (idx_a, idx_b)
        row_bufs = (rows_a, rows_b)
        gsems = (gs_a, gs_b)
        osems = (os_a, os_b)
        isems = (is_a, is_b)

        for idx_h, out_h in ((idx1_h, out1_h), (idx2_h, out2_h)):

            def stage_idx(s, b, idx_h=idx_h):
                pltpu.async_copy(idx_h.at[pl.ds((w * s_per + s) * SLAB, SLAB)],
                                 idx_bufs[b], isems[b])

            def drain_idx(b, idx_h=idx_h):
                pltpu.make_async_copy(idx_h.at[pl.ds(0, SLAB)], idx_bufs[b],
                                      isems[b]).wait()

            def fire_g(b):
                for j in range(GPS):
                    pltpu.async_copy(
                        table_h.at[idx_bufs[b].at[pl.ds(j * CH, CH)]],
                        row_bufs[b].at[pl.ds(j * CH, CH)], gsems[b])

            def drain_g(b):
                pltpu.make_async_copy(table_h.at[pl.ds(0, SLAB)],
                                      row_bufs[b], gsems[b]).wait()

            def fire_wb(s, b, out_h=out_h):
                pltpu.async_copy(
                    row_bufs[b],
                    out_h.at[pl.ds((w * s_per + s) * SLAB, SLAB), pl.ds(0, D)],
                    osems[b])

            def drain_wb(b, out_h=out_h):
                pltpu.make_async_copy(
                    row_bufs[b], out_h.at[pl.ds(0, SLAB), pl.ds(0, D)],
                    osems[b]).wait()

            stage_idx(0, 0)
            stage_idx(1, 1)
            drain_idx(0)
            fire_g(0)
            drain_idx(1)
            fire_g(1)

            @pl.loop(0, s_per - 2, step=2)
            def _(si):
                for b in range(2):
                    s = si + b
                    drain_g(b)
                    stage_idx(s + 2, b)
                    fire_wb(s, b)
                    drain_wb(b)
                    drain_idx(b)
                    fire_g(b)

            for b in range(2):
                drain_g(b)
                fire_wb(s_per - 2 + b, b)
                drain_wb(b)

    call = pl.kernel(
        body,
        out_type=(jax.ShapeDtypeStruct((n, 2 * D), jnp.float32),
                  jax.ShapeDtypeStruct((n, 2 * D), jnp.float32)),
        mesh=mesh,
        scratch_types=(
            pltpu.VMEM((SLAB,), jnp.int32),
            pltpu.VMEM((SLAB,), jnp.int32),
            pltpu.VMEM((SLAB, D), jnp.float32),
            pltpu.VMEM((SLAB, D), jnp.float32),
            pltpu.SemaphoreType.DMA,
            pltpu.SemaphoreType.DMA,
            pltpu.SemaphoreType.DMA,
            pltpu.SemaphoreType.DMA,
            pltpu.SemaphoreType.DMA,
            pltpu.SemaphoreType.DMA,
        ),
        compiler_params=pltpu.CompilerParams(use_tc_tiling_on_sc=False),
    )
    return call(idx1, idx2, table)


def kernel(text, text2, table):
    b, l = text.shape
    n = b * l
    assert n % (NW * SLAB) == 0
    s_per = n // (NW * SLAB)
    assert s_per % 2 == 0 and s_per >= 4
    idx1 = text.reshape(n)
    idx2 = text2.reshape(n)
    out1, out2 = _two_gathers(idx1, idx2, table, s_per)
    return (out1[:, :D].reshape(b, l, D), out2[:, :D].reshape(b, l, D))

# --- scband reference (transcript-rebuilt; emitter-appended) ---
"""Pipeline reference for scband-mmd-4329327034959 (READ-ONLY COPY).

The authoritative reference and input builder live on the scoring server;
editing this copy changes nothing except your own understanding.
"""

import jax, jax.numpy as jnp
import numpy as np

VOCAB = 1000000
DIM = 64
B = 4096
L = 200


def setup_inputs(seed: int = 0) -> dict:
    key = jax.random.key(seed)
    k1, k2, k3 = jax.random.split(key, 3)
    text = jax.random.randint(k1, (B, L), 0, VOCAB, dtype=jnp.int32)
    text2 = jax.random.randint(k2, (B, L), 0, VOCAB, dtype=jnp.int32)
    table = jax.random.normal(k3, (VOCAB, DIM), dtype=jnp.float32)
    return {"text": text, "text2": text2, "table": table}


def reference(text, text2, table):
    # Faithful translation of MMD.forward's computational core:
    # two embedding lookups (the tsne/seaborn plotting is side-effect-only
    # visualization with no tensor output; the gathers are the computation).
    embedded = jnp.take(table, text, axis=0)
    embedded2 = jnp.take(table, text2, axis=0)
    return (embedded, embedded2)

if __name__ == "__main__":
    import jax
    _d = setup_inputs()
    print(jax.jit(kernel)(*tuple(_d.values())))

</pallas_src>

<mosaic_0001>
#map = affine_map<(d0, d1) -> (0)>
#map1 = affine_map<(d0, d1) -> (0, 0)>
module attributes {stable_mosaic.version = 14 : i64} {
  func.func @body(%arg0: i32, %arg1: i32, %arg2: memref<819200xi32, #tpu.memory_space<hbm>>, %arg3: memref<819200xi32, #tpu.memory_space<hbm>>, %arg4: memref<1000000x64xf32, #tpu.memory_space<hbm>>, %arg5: memref<819200x128xf32, #tpu.memory_space<hbm>>, %arg6: memref<819200x128xf32, #tpu.memory_space<hbm>>, %arg7: memref<640xi32, #tpu.memory_space<vmem>>, %arg8: memref<640xi32, #tpu.memory_space<vmem>>, %arg9: memref<640x64xf32, #tpu.memory_space<vmem>>, %arg10: memref<640x64xf32, #tpu.memory_space<vmem>>, %arg11: memref<!tpu.dma_semaphore, #tpu.memory_space<semaphore_mem>>, %arg12: memref<!tpu.dma_semaphore, #tpu.memory_space<semaphore_mem>>, %arg13: memref<!tpu.dma_semaphore, #tpu.memory_space<semaphore_mem>>, %arg14: memref<!tpu.dma_semaphore, #tpu.memory_space<semaphore_mem>>, %arg15: memref<!tpu.dma_semaphore, #tpu.memory_space<semaphore_mem>>, %arg16: memref<!tpu.dma_semaphore, #tpu.memory_space<semaphore_mem>>) attributes {dimension_semantics = [#tpu.dimension_semantics<core_parallel>, #tpu.dimension_semantics<subcore_parallel>], iteration_bounds = array<i64: 2, 16>, scalar_prefetch = 0 : i64, scratch_operands = 10 : i64, tpu.core_type = #tpu.core_type<sc_vector_subcore>, window_params = [{transform_indices = #map}, {transform_indices = #map}, {transform_indices = #map1}, {transform_indices = #map1}, {transform_indices = #map1}]} {
    %mul3A = arith.constant 2 : i32
    %mul3A_0 = arith.muli %arg1, %mul3A : i32
    %add3A = arith.addi %mul3A_0, %arg0 : i32
    %mul3A_1 = arith.constant 40 : i32
    %mul3A_2 = arith.muli %add3A, %mul3A_1 : i32
    %add3A_3 = arith.constant 0 : i32
    %add3A_4 = arith.addi %mul3A_2, %add3A_3 : i32
    %mul3A_5 = arith.constant 640 : i32
    %mul3A_6 = arith.muli %add3A_4, %mul3A_5 : i32
    %dma_start3A = tpu.memref_slice %arg2[%mul3A_6] : memref<819200xi32, #tpu.memory_space<hbm>> -> memref<640xi32, #tpu.memory_space<hbm>>
    %dma_start3A_7 = tpu.memref_slice %arg2[%mul3A_6] : memref<819200xi32, #tpu.memory_space<hbm>> -> memref<640xi32, #tpu.memory_space<hbm>>
    tpu.enqueue_dma source(%dma_start3A_7 : memref<640xi32, #tpu.memory_space<hbm>>) target(%arg7 : memref<640xi32, #tpu.memory_space<vmem>>) target_semaphore(%arg15 : memref<!tpu.dma_semaphore, #tpu.memory_space<semaphore_mem>>)
    %mul3A_8 = arith.constant 40 : i32
    %mul3A_9 = arith.muli %add3A, %mul3A_8 : i32
    %add3A_10 = arith.constant 1 : i32
    %add3A_11 = arith.addi %mul3A_9, %add3A_10 : i32
    %mul3A_12 = arith.constant 640 : i32
    %mul3A_13 = arith.muli %add3A_11, %mul3A_12 : i32
    %dma_start3A_14 = tpu.memref_slice %arg2[%mul3A_13] : memref<819200xi32, #tpu.memory_space<hbm>> -> memref<640xi32, #tpu.memory_space<hbm>>
    %dma_start3A_15 = tpu.memref_slice %arg2[%mul3A_13] : memref<819200xi32, #tpu.memory_space<hbm>> -> memref<640xi32, #tpu.memory_space<hbm>>
    tpu.enqueue_dma source(%dma_start3A_15 : memref<640xi32, #tpu.memory_space<hbm>>) target(%arg8 : memref<640xi32, #tpu.memory_space<vmem>>) target_semaphore(%arg16 : memref<!tpu.dma_semaphore, #tpu.memory_space<semaphore_mem>>)
    %dma_wait3A = arith.constant 0 : i32
    %dma_wait3A_16 = tpu.memref_slice %arg2[%dma_wait3A] : memref<819200xi32, #tpu.memory_space<hbm>> -> memref<640xi32, #tpu.memory_space<hbm>>
    %dma_wait3A_17 = arith.constant 0 : i32
    %dma_wait3A_18 = tpu.memref_slice %arg2[%dma_wait3A_17] : memref<819200xi32, #tpu.memory_space<hbm>> -> memref<640xi32, #tpu.memory_space<hbm>>
    tpu.wait_dma2 semaphore(%arg15 : memref<!tpu.dma_semaphore, #tpu.memory_space<semaphore_mem>>) src(%dma_wait3A_18 : memref<640xi32, #tpu.memory_space<hbm>>) dst(%arg7 : memref<640xi32, #tpu.memory_space<vmem>>)
    %dma_start3A_19 = arith.constant 0 : i32
    %dma_start3A_20 = arith.constant 0 : i32
    %dma_start3A_21 = tpu.memref_slice %arg9[%dma_start3A_19, %dma_start3A_20] : memref<640x64xf32, #tpu.memory_space<vmem>> -> memref<128x64xf32, #tpu.memory_space<vmem>>
    %dma_start3A_22 = arith.constant 0 : i32
    %dma_start3A_23 = tpu.memref_slice %arg7[%dma_start3A_22] : memref<640xi32, #tpu.memory_space<vmem>> -> memref<128xi32, #tpu.memory_space<vmem>>
    %dma_start3A_24 = arith.constant 0 : i32
    %dma_start3A_25 = arith.constant 0 : i32
    %dma_start3A_26 = tpu.memref_slice %arg4[%dma_start3A_24, %dma_start3A_25] : memref<1000000x64xf32, #tpu.memory_space<hbm>> -> memref<1000000x64xf32, #tpu.memory_space<hbm>>
    tpu.enqueue_indirect_dma source(%dma_start3A_26 : memref<1000000x64xf32, #tpu.memory_space<hbm>>) target(%dma_start3A_21 : memref<128x64xf32, #tpu.memory_space<vmem>>) offsets(%dma_start3A_23 : memref<128xi32, #tpu.memory_space<vmem>>) semaphore(%arg11 : memref<!tpu.dma_semaphore, #tpu.memory_space<semaphore_mem>>)
    %dma_start3A_27 = arith.constant 128 : i32
    %dma_start3A_28 = arith.constant 0 : i32
    %dma_start3A_29 = tpu.memref_slice %arg9[%dma_start3A_27, %dma_start3A_28] : memref<640x64xf32, #tpu.memory_space<vmem>> -> memref<128x64xf32, #tpu.memory_space<vmem>>
    %dma_start3A_30 = arith.constant 128 : i32
    %dma_start3A_31 = tpu.memref_slice %arg7[%dma_start3A_30] : memref<640xi32, #tpu.memory_space<vmem>> -> memref<128xi32, #tpu.memory_space<vmem>>
    %dma_start3A_32 = arith.constant 0 : i32
    %dma_start3A_33 = arith.constant 0 : i32
    %dma_start3A_34 = tpu.memref_slice %arg4[%dma_start3A_32, %dma_start3A_33] : memref<1000000x64xf32, #tpu.memory_space<hbm>> -> memref<1000000x64xf32, #tpu.memory_space<hbm>>
    tpu.enqueue_indirect_dma source(%dma_start3A_34 : memref<1000000x64xf32, #tpu.memory_space<hbm>>) target(%dma_start3A_29 : memref<128x64xf32, #tpu.memory_space<vmem>>) offsets(%dma_start3A_31 : memref<128xi32, #tpu.memory_space<vmem>>) semaphore(%arg11 : memref<!tpu.dma_semaphore, #tpu.memory_space<semaphore_mem>>)
    %dma_start3A_35 = arith.constant 256 : i32
    %dma_start3A_36 = arith.constant 0 : i32
    %dma_start3A_37 = tpu.memref_slice %arg9[%dma_start3A_35, %dma_start3A_36] : memref<640x64xf32, #tpu.memory_space<vmem>> -> memref<128x64xf32, #tpu.memory_space<vmem>>
    %dma_start3A_38 = arith.constant 256 : i32
    %dma_start3A_39 = tpu.memref_slice %arg7[%dma_start3A_38] : memref<640xi32, #tpu.memory_space<vmem>> -> memref<128xi32, #tpu.memory_space<vmem>>
    %dma_start3A_40 = arith.constant 0 : i32
    %dma_start3A_41 = arith.constant 0 : i32
    %dma_start3A_42 = tpu.memref_slice %arg4[%dma_start3A_40, %dma_start3A_41] : memref<1000000x64xf32, #tpu.memory_space<hbm>> -> memref<1000000x64xf32, #tpu.memory_space<hbm>>
    tpu.enqueue_indirect_dma source(%dma_start3A_42 : memref<1000000x64xf32, #tpu.memory_space<hbm>>) target(%dma_start3A_37 : memref<128x64xf32, #tpu.memory_space<vmem>>) offsets(%dma_start3A_39 : memref<128xi32, #tpu.memory_space<vmem>>) semaphore(%arg11 : memref<!tpu.dma_semaphore, #tpu.memory_space<semaphore_mem>>)
    %dma_start3A_43 = arith.constant 384 : i32
    %dma_start3A_44 = arith.constant 0 : i32
    %dma_start3A_45 = tpu.memref_slice %arg9[%dma_start3A_43, %dma_start3A_44] : memref<640x64xf32, #tpu.memory_space<vmem>> -> memref<128x64xf32, #tpu.memory_space<vmem>>
    %dma_start3A_46 = arith.constant 384 : i32
    %dma_start3A_47 = tpu.memref_slice %arg7[%dma_start3A_46] : memref<640xi32, #tpu.memory_space<vmem>> -> memref<128xi32, #tpu.memory_space<vmem>>
    %dma_start3A_48 = arith.constant 0 : i32
    %dma_start3A_49 = arith.constant 0 : i32
    %dma_start3A_50 = tpu.memref_slice %arg4[%dma_start3A_48, %dma_start3A_49] : memref<1000000x64xf32, #tpu.memory_space<hbm>> -> memref<1000000x64xf32, #tpu.memory_space<hbm>>
    tpu.enqueue_indirect_dma source(%dma_start3A_50 : memref<1000000x64xf32, #tpu.memory_space<hbm>>) target(%dma_start3A_45 : memref<128x64xf32, #tpu.memory_space<vmem>>) offsets(%dma_start3A_47 : memref<128xi32, #tpu.memory_space<vmem>>) semaphore(%arg11 : memref<!tpu.dma_semaphore, #tpu.memory_space<semaphore_mem>>)
    %dma_start3A_51 = arith.constant 512 : i32
    %dma_start3A_52 = arith.constant 0 : i32
    %dma_start3A_53 = tpu.memref_slice %arg9[%dma_start3A_51, %dma_start3A_52] : memref<640x64xf32, #tpu.memory_space<vmem>> -> memref<128x64xf32, #tpu.memory_space<vmem>>
    %dma_start3A_54 = arith.constant 512 : i32
    %dma_start3A_55 = tpu.memref_slice %arg7[%dma_start3A_54] : memref<640xi32, #tpu.memory_space<vmem>> -> memref<128xi32, #tpu.memory_space<vmem>>
    %dma_start3A_56 = arith.constant 0 : i32
    %dma_start3A_57 = arith.constant 0 : i32
    %dma_start3A_58 = tpu.memref_slice %arg4[%dma_start3A_56, %dma_start3A_57] : memref<1000000x64xf32, #tpu.memory_space<hbm>> -> memref<1000000x64xf32, #tpu.memory_space<hbm>>
    tpu.enqueue_indirect_dma source(%dma_start3A_58 : memref<1000000x64xf32, #tpu.memory_space<hbm>>) target(%dma_start3A_53 : memref<128x64xf32, #tpu.memory_space<vmem>>) offsets(%dma_start3A_55 : memref<128xi32, #tpu.memory_space<vmem>>) semaphore(%arg11 : memref<!tpu.dma_semaphore, #tpu.memory_space<semaphore_mem>>)
    %dma_wait3A_59 = arith.constant 0 : i32
    %dma_wait3A_60 = tpu.memref_slice %arg2[%dma_wait3A_59] : memref<819200xi32, #tpu.memory_space<hbm>> -> memref<640xi32, #tpu.memory_space<hbm>>
    %dma_wait3A_61 = arith.constant 0 : i32
    %dma_wait3A_62 = tpu.memref_slice %arg2[%dma_wait3A_61] : memref<819200xi32, #tpu.memory_space<hbm>> -> memref<640xi32, #tpu.memory_space<hbm>>
    tpu.wait_dma2 semaphore(%arg16 : memref<!tpu.dma_semaphore, #tpu.memory_space<semaphore_mem>>) src(%dma_wait3A_62 : memref<640xi32, #tpu.memory_space<hbm>>) dst(%arg8 : memref<640xi32, #tpu.memory_space<vmem>>)
    %dma_start3A_63 = arith.constant 0 : i32
    %dma_start3A_64 = arith.constant 0 : i32
    %dma_start3A_65 = tpu.memref_slice %arg10[%dma_start3A_63, %dma_start3A_64] : memref<640x64xf32, #tpu.memory_space<vmem>> -> memref<128x64xf32, #tpu.memory_space<vmem>>
    %dma_start3A_66 = arith.constant 0 : i32
    %dma_start3A_67 = tpu.memref_slice %arg8[%dma_start3A_66] : memref<640xi32, #tpu.memory_space<vmem>> -> memref<128xi32, #tpu.memory_space<vmem>>
    %dma_start3A_68 = arith.constant 0 : i32
    %dma_start3A_69 = arith.constant 0 : i32
    %dma_start3A_70 = tpu.memref_slice %arg4[%dma_start3A_68, %dma_start3A_69] : memref<1000000x64xf32, #tpu.memory_space<hbm>> -> memref<1000000x64xf32, #tpu.memory_space<hbm>>
    tpu.enqueue_indirect_dma source(%dma_start3A_70 : memref<1000000x64xf32, #tpu.memory_space<hbm>>) target(%dma_start3A_65 : memref<128x64xf32, #tpu.memory_space<vmem>>) offsets(%dma_start3A_67 : memref<128xi32, #tpu.memory_space<vmem>>) semaphore(%arg12 : memref<!tpu.dma_semaphore, #tpu.memory_space<semaphore_mem>>)
    %dma_start3A_71 = arith.constant 128 : i32
    %dma_start3A_72 = arith.constant 0 : i32
    %dma_start3A_73 = tpu.memref_slice %arg10[%dma_start3A_71, %dma_start3A_72] : memref<640x64xf32, #tpu.memory_space<vmem>> -> memref<128x64xf32, #tpu.memory_space<vmem>>
    %dma_start3A_74 = arith.constant 128 : i32
    %dma_start3A_75 = tpu.memref_slice %arg8[%dma_start3A_74] : memref<640xi32, #tpu.memory_space<vmem>> -> memref<128xi32, #tpu.memory_space<vmem>>
    %dma_start3A_76 = arith.constant 0 : i32
    %dma_start3A_77 = arith.constant 0 : i32
    %dma_start3A_78 = tpu.memref_slice %arg4[%dma_start3A_76, %dma_start3A_77] : memref<1000000x64xf32, #tpu.memory_space<hbm>> -> memref<1000000x64xf32, #tpu.memory_space<hbm>>
    tpu.enqueue_indirect_dma source(%dma_start3A_78 : memref<1000000x64xf32, #tpu.memory_space<hbm>>) target(%dma_start3A_73 : memref<128x64xf32, #tpu.memory_space<vmem>>) offsets(%dma_start3A_75 : memref<128xi32, #tpu.memory_space<vmem>>) semaphore(%arg12 : memref<!tpu.dma_semaphore, #tpu.memory_space<semaphore_mem>>)
    %dma_start3A_79 = arith.constant 256 : i32
    %dma_start3A_80 = arith.constant 0 : i32
    %dma_start3A_81 = tpu.memref_slice %arg10[%dma_start3A_79, %dma_start3A_80] : memref<640x64xf32, #tpu.memory_space<vmem>> -> memref<128x64xf32, #tpu.memory_space<vmem>>
    %dma_start3A_82 = arith.constant 256 : i32
    %dma_start3A_83 = tpu.memref_slice %arg8[%dma_start3A_82] : memref<640xi32, #tpu.memory_space<vmem>> -> memref<128xi32, #tpu.memory_space<vmem>>
    %dma_start3A_84 = arith.constant 0 : i32
    %dma_start3A_85 = arith.constant 0 : i32
    %dma_start3A_86 = tpu.memref_slice %arg4[%dma_start3A_84, %dma_start3A_85] : memref<1000000x64xf32, #tpu.memory_space<hbm>> -> memref<1000000x64xf32, #tpu.memory_space<hbm>>
    tpu.enqueue_indirect_dma source(%dma_start3A_86 : memref<1000000x64xf32, #tpu.memory_space<hbm>>) target(%dma_start3A_81 : memref<128x64xf32, #tpu.memory_space<vmem>>) offsets(%dma_start3A_83 : memref<128xi32, #tpu.memory_space<vmem>>) semaphore(%arg12 : memref<!tpu.dma_semaphore, #tpu.memory_space<semaphore_mem>>)
    %dma_start3A_87 = arith.constant 384 : i32
    %dma_start3A_88 = arith.constant 0 : i32
    %dma_start3A_89 = tpu.memref_slice %arg10[%dma_start3A_87, %dma_start3A_88] : memref<640x64xf32, #tpu.memory_space<vmem>> -> memref<128x64xf32, #tpu.memory_space<vmem>>
    %dma_start3A_90 = arith.constant 384 : i32
    %dma_start3A_91 = tpu.memref_slice %arg8[%dma_start3A_90] : memref<640xi32, #tpu.memory_space<vmem>> -> memref<128xi32, #tpu.memory_space<vmem>>
    %dma_start3A_92 = arith.constant 0 : i32
    %dma_start3A_93 = arith.constant 0 : i32
    %dma_start3A_94 = tpu.memref_slice %arg4[%dma_start3A_92, %dma_start3A_93] : memref<1000000x64xf32, #tpu.memory_space<hbm>> -> memref<1000000x64xf32, #tpu.memory_space<hbm>>
    tpu.enqueue_indirect_dma source(%dma_start3A_94 : memref<1000000x64xf32, #tpu.memory_space<hbm>>) target(%dma_start3A_89 : memref<128x64xf32, #tpu.memory_space<vmem>>) offsets(%dma_start3A_91 : memref<128xi32, #tpu.memory_space<vmem>>) semaphore(%arg12 : memref<!tpu.dma_semaphore, #tpu.memory_space<semaphore_mem>>)
    %dma_start3A_95 = arith.constant 512 : i32
    %dma_start3A_96 = arith.constant 0 : i32
    %dma_start3A_97 = tpu.memref_slice %arg10[%dma_start3A_95, %dma_start3A_96] : memref<640x64xf32, #tpu.memory_space<vmem>> -> memref<128x64xf32, #tpu.memory_space<vmem>>
    %dma_start3A_98 = arith.constant 512 : i32
    %dma_start3A_99 = tpu.memref_slice %arg8[%dma_start3A_98] : memref<640xi32, #tpu.memory_space<vmem>> -> memref<128xi32, #tpu.memory_space<vmem>>
    %dma_start3A_100 = arith.constant 0 : i32
    %dma_start3A_101 = arith.constant 0 : i32
    %dma_start3A_102 = tpu.memref_slice %arg4[%dma_start3A_100, %dma_start3A_101] : memref<1000000x64xf32, #tpu.memory_space<hbm>> -> memref<1000000x64xf32, #tpu.memory_space<hbm>>
    tpu.enqueue_indirect_dma source(%dma_start3A_102 : memref<1000000x64xf32, #tpu.memory_space<hbm>>) target(%dma_start3A_97 : memref<128x64xf32, #tpu.memory_space<vmem>>) offsets(%dma_start3A_99 : memref<128xi32, #tpu.memory_space<vmem>>) semaphore(%arg12 : memref<!tpu.dma_semaphore, #tpu.memory_space<semaphore_mem>>)
    %scan3A = arith.constant 0 : i32
    %scan3A_103 = arith.constant 19 : i32
    %scan3A_104 = arith.addi %scan3A, %scan3A_103 : i32
    %scan3A_105 = arith.constant 1 : i32
    scf.for %scan3A_304 = %scan3A to %scan3A_104 step %scan3A_105  : i32 {
      %mul3A_305 = arith.constant 2 : i32
      %mul3A_306 = arith.muli %scan3A_304, %mul3A_305 : i32
      %add3A_307 = arith.constant 0 : i32
      %add3A_308 = arith.addi %add3A_307, %mul3A_306 : i32
      %add3A_309 = arith.constant 0 : i32
      %add3A_310 = arith.addi %add3A_308, %add3A_309 : i32
      %dma_wait3A_311 = arith.constant 0 : i32
      %dma_wait3A_312 = arith.constant 0 : i32
      %dma_wait3A_313 = tpu.memref_slice %arg4[%dma_wait3A_311, %dma_wait3A_312] : memref<1000000x64xf32, #tpu.memory_space<hbm>> -> memref<640x64xf32, #tpu.memory_space<hbm>>
      %dma_wait3A_314 = arith.constant 0 : i32
      %dma_wait3A_315 = arith.constant 0 : i32
      %dma_wait3A_316 = tpu.memref_slice %arg4[%dma_wait3A_314, %dma_wait3A_315] : memref<1000000x64xf32, #tpu.memory_space<hbm>> -> memref<640x64xf32, #tpu.memory_space<hbm>>
      tpu.wait_dma2 semaphore(%arg11 : memref<!tpu.dma_semaphore, #tpu.memory_space<semaphore_mem>>) src(%dma_wait3A_316 : memref<640x64xf32, #tpu.memory_space<hbm>>) dst(%arg9 : memref<640x64xf32, #tpu.memory_space<vmem>>)
      %add3A_317 = arith.constant 2 : i32
      %add3A_318 = arith.addi %add3A_310, %add3A_317 : i32
      %mul3A_319 = arith.constant 40 : i32
      %mul3A_320 = arith.muli %add3A, %mul3A_319 : i32
      %add3A_321 = arith.addi %mul3A_320, %add3A_318 : i32
      %mul3A_322 = arith.constant 640 : i32
      %mul3A_323 = arith.muli %add3A_321, %mul3A_322 : i32
      %dma_start3A_324 = tpu.memref_slice %arg2[%mul3A_323] : memref<819200xi32, #tpu.memory_space<hbm>> -> memref<640xi32, #tpu.memory_space<hbm>>
      %dma_start3A_325 = tpu.memref_slice %arg2[%mul3A_323] : memref<819200xi32, #tpu.memory_space<hbm>> -> memref<640xi32, #tpu.memory_space<hbm>>
      tpu.enqueue_dma source(%dma_start3A_325 : memref<640xi32, #tpu.memory_space<hbm>>) target(%arg7 : memref<640xi32, #tpu.memory_space<vmem>>) target_semaphore(%arg15 : memref<!tpu.dma_semaphore, #tpu.memory_space<semaphore_mem>>)
      %mul3A_326 = arith.constant 40 : i32
      %mul3A_327 = arith.muli %add3A, %mul3A_326 : i32
      %add3A_328 = arith.addi %mul3A_327, %add3A_310 : i32
      %mul3A_329 = arith.constant 640 : i32
      %mul3A_330 = arith.muli %add3A_328, %mul3A_329 : i32
      %dma_start3A_331 = arith.constant 0 : i32
      %dma_start3A_332 = tpu.memref_slice %arg5[%mul3A_330, %dma_start3A_331] : memref<819200x128xf32, #tpu.memory_space<hbm>> -> memref<640x64xf32, #tpu.memory_space<hbm>>
      %dma_start3A_333 = arith.constant 0 : i32
      %dma_start3A_334 = tpu.memref_slice %arg5[%mul3A_330, %dma_start3A_333] : memref<819200x128xf32, #tpu.memory_space<hbm>> -> memref<640x64xf32, #tpu.memory_space<hbm>>
      tpu.enqueue_dma source(%arg9 : memref<640x64xf32, #tpu.memory_space<vmem>>) target(%dma_start3A_334 : memref<640x64xf32, #tpu.memory_space<hbm>>) target_semaphore(%arg13 : memref<!tpu.dma_semaphore, #tpu.memory_space<semaphore_mem>>)
      %dma_wait3A_335 = arith.constant 0 : i32
      %dma_wait3A_336 = arith.constant 0 : i32
      %dma_wait3A_337 = tpu.memref_slice %arg5[%dma_wait3A_335, %dma_wait3A_336] : memref<819200x128xf32, #tpu.memory_space<hbm>> -> memref<640x64xf32, #tpu.memory_space<hbm>>
      %dma_wait3A_338 = arith.constant 0 : i32
      %dma_wait3A_339 = arith.constant 0 : i32
      %dma_wait3A_340 = tpu.memref_slice %arg5[%dma_wait3A_338, %dma_wait3A_339] : memref<819200x128xf32, #tpu.memory_space<hbm>> -> memref<640x64xf32, #tpu.memory_space<hbm>>
      tpu.wait_dma2 semaphore(%arg13 : memref<!tpu.dma_semaphore, #tpu.memory_space<semaphore_mem>>) src(%arg9 : memref<640x64xf32, #tpu.memory_space<vmem>>) dst(%dma_wait3A_340 : memref<640x64xf32, #tpu.memory_space<hbm>>)
      %dma_wait3A_341 = arith.constant 0 : i32
      %dma_wait3A_342 = tpu.memref_slice %arg2[%dma_wait3A_341] : memref<819200xi32, #tpu.memory_space<hbm>> -> memref<640xi32, #tpu.memory_space<hbm>>
      %dma_wait3A_343 = arith.constant 0 : i32
      %dma_wait3A_344 = tpu.memref_slice %arg2[%dma_wait3A_343] : memref<819200xi32, #tpu.memory_space<hbm>> -> memref<640xi32, #tpu.memory_space<hbm>>
      tpu.wait_dma2 semaphore(%arg15 : memref<!tpu.dma_semaphore, #tpu.memory_space<semaphore_mem>>) src(%dma_wait3A_344 : memref<640xi32, #tpu.memory_space<hbm>>) dst(%arg7 : memref<640xi32, #tpu.memory_space<vmem>>)
      %dma_start3A_345 = arith.constant 0 : i32
      %dma_start3A_346 = arith.constant 0 : i32
      %dma_start3A_347 = tpu.memref_slice %arg9[%dma_start3A_345, %dma_start3A_346] : memref<640x64xf32, #tpu.memory_space<vmem>> -> memref<128x64xf32, #tpu.memory_space<vmem>>
      %dma_start3A_348 = arith.constant 0 : i32
      %dma_start3A_349 = tpu.memref_slice %arg7[%dma_start3A_348] : memref<640xi32, #tpu.memory_space<vmem>> -> memref<128xi32, #tpu.memory_space<vmem>>
      %dma_start3A_350 = arith.constant 0 : i32
      %dma_start3A_351 = arith.constant 0 : i32
      %dma_start3A_352 = tpu.memref_slice %arg4[%dma_start3A_350, %dma_start3A_351] : memref<1000000x64xf32, #tpu.memory_space<hbm>> -> memref<1000000x64xf32, #tpu.memory_space<hbm>>
      tpu.enqueue_indirect_dma source(%dma_start3A_352 : memref<1000000x64xf32, #tpu.memory_space<hbm>>) target(%dma_start3A_347 : memref<128x64xf32, #tpu.memory_space<vmem>>) offsets(%dma_start3A_349 : memref<128xi32, #tpu.memory_space<vmem>>) semaphore(%arg11 : memref<!tpu.dma_semaphore, #tpu.memory_space<semaphore_mem>>)
      %dma_start3A_353 = arith.constant 128 : i32
      %dma_start3A_354 = arith.constant 0 : i32
      %dma_start3A_355 = tpu.memref_slice %arg9[%dma_start3A_353, %dma_start3A_354] : memref<640x64xf32, #tpu.memory_space<vmem>> -> memref<128x64xf32, #tpu.memory_space<vmem>>
      %dma_start3A_356 = arith.constant 128 : i32
      %dma_start3A_357 = tpu.memref_slice %arg7[%dma_start3A_356] : memref<640xi32, #tpu.memory_space<vmem>> -> memref<128xi32, #tpu.memory_space<vmem>>
      %dma_start3A_358 = arith.constant 0 : i32
      %dma_start3A_359 = arith.constant 0 : i32
      %dma_start3A_360 = tpu.memref_slice %arg4[%dma_start3A_358, %dma_start3A_359] : memref<1000000x64xf32, #tpu.memory_space<hbm>> -> memref<1000000x64xf32, #tpu.memory_space<hbm>>
      tpu.enqueue_indirect_dma source(%dma_start3A_360 : memref<1000000x64xf32, #tpu.memory_space<hbm>>) target(%dma_start3A_355 : memref<128x64xf32, #tpu.memory_space<vmem>>) offsets(%dma_start3A_357 : memref<128xi32, #tpu.memory_space<vmem>>) semaphore(%arg11 : memref<!tpu.dma_semaphore, #tpu.memory_space<semaphore_mem>>)
      %dma_start3A_361 = arith.constant 256 : i32
      %dma_start3A_362 = arith.constant 0 : i32
      %dma_start3A_363 = tpu.memref_slice %arg9[%dma_start3A_361, %dma_start3A_362] : memref<640x64xf32, #tpu.memory_space<vmem>> -> memref<128x64xf32, #tpu.memory_space<vmem>>
      %dma_start3A_364 = arith.constant 256 : i32
      %dma_start3A_365 = tpu.memref_slice %arg7[%dma_start3A_364] : memref<640xi32, #tpu.memory_space<vmem>> -> memref<128xi32, #tpu.memory_space<vmem>>
      %dma_start3A_366 = arith.constant 0 : i32
      %dma_start3A_367 = arith.constant 0 : i32
      %dma_start3A_368 = tpu.memref_slice %arg4[%dma_start3A_366, %dma_start3A_367] : memref<1000000x64xf32, #tpu.memory_space<hbm>> -> memref<1000000x64xf32, #tpu.memory_space<hbm>>
      tpu.enqueue_indirect_dma source(%dma_start3A_368 : memref<1000000x64xf32, #tpu.memory_space<hbm>>) target(%dma_start3A_363 : memref<128x64xf32, #tpu.memory_space<vmem>>) offsets(%dma_start3A_365 : memref<128xi32, #tpu.memory_space<vmem>>) semaphore(%arg11 : memref<!tpu.dma_semaphore, #tpu.memory_space<semaphore_mem>>)
      %dma_start3A_369 = arith.constant 384 : i32
      %dma_start3A_370 = arith.constant 0 : i32
      %dma_start3A_371 = tpu.memref_slice %arg9[%dma_start3A_369, %dma_start3A_370] : memref<640x64xf32, #tpu.memory_space<vmem>> -> memref<128x64xf32, #tpu.memory_space<vmem>>
      %dma_start3A_372 = arith.constant 384 : i32
      %dma_start3A_373 = tpu.memref_slice %arg7[%dma_start3A_372] : memref<640xi32, #tpu.memory_space<vmem>> -> memref<128xi32, #tpu.memory_space<vmem>>
      %dma_start3A_374 = arith.constant 0 : i32
      %dma_start3A_375 = arith.constant 0 : i32
      %dma_start3A_376 = tpu.memref_slice %arg4[%dma_start3A_374, %dma_start3A_375] : memref<1000000x64xf32, #tpu.memory_space<hbm>> -> memref<1000000x64xf32, #tpu.memory_space<hbm>>
      tpu.enqueue_indirect_dma source(%dma_start3A_376 : memref<1000000x64xf32, #tpu.memory_space<hbm>>) target(%dma_start3A_371 : memref<128x64xf32, #tpu.memory_space<vmem>>) offsets(%dma_start3A_373 : memref<128xi32, #tpu.memory_space<vmem>>) semaphore(%arg11 : memref<!tpu.dma_semaphore, #tpu.memory_space<semaphore_mem>>)
      %dma_start3A_377 = arith.constant 512 : i32
      %dma_start3A_378 = arith.constant 0 : i32
      %dma_start3A_379 = tpu.memref_slice %arg9[%dma_start3A_377, %dma_start3A_378] : memref<640x64xf32, #tpu.memory_space<vmem>> -> memref<128x64xf32, #tpu.memory_space<vmem>>
      %dma_start3A_380 = arith.constant 512 : i32
      %dma_start3A_381 = tpu.memref_slice %arg7[%dma_start3A_380] : memref<640xi32, #tpu.memory_space<vmem>> -> memref<128xi32, #tpu.memory_space<vmem>>
      %dma_start3A_382 = arith.constant 0 : i32
      %dma_start3A_383 = arith.constant 0 : i32
      %dma_start3A_384 = tpu.memref_slice %arg4[%dma_start3A_382, %dma_start3A_383] : memref<1000000x64xf32, #tpu.memory_space<hbm>> -> memref<1000000x64xf32, #tpu.memory_space<hbm>>
      tpu.enqueue_indirect_dma source(%dma_start3A_384 : memref<1000000x64xf32, #tpu.memory_space<hbm>>) target(%dma_start3A_379 : memref<128x64xf32, #tpu.memory_space<vmem>>) offsets(%dma_start3A_381 : memref<128xi32, #tpu.memory_space<vmem>>) semaphore(%arg11 : memref<!tpu.dma_semaphore, #tpu.memory_space<semaphore_mem>>)
      %add3A_385 = arith.constant 1 : i32
      %add3A_386 = arith.addi %add3A_308, %add3A_385 : i32
      %dma_wait3A_387 = arith.constant 0 : i32
      %dma_wait3A_388 = arith.constant 0 : i32
      %dma_wait3A_389 = tpu.memref_slice %arg4[%dma_wait3A_387, %dma_wait3A_388] : memref<1000000x64xf32, #tpu.memory_space<hbm>> -> memref<640x64xf32, #tpu.memory_space<hbm>>
      %dma_wait3A_390 = arith.constant 0 : i32
      %dma_wait3A_391 = arith.constant 0 : i32
      %dma_wait3A_392 = tpu.memref_slice %arg4[%dma_wait3A_390, %dma_wait3A_391] : memref<1000000x64xf32, #tpu.memory_space<hbm>> -> memref<640x64xf32, #tpu.memory_space<hbm>>
      tpu.wait_dma2 semaphore(%arg12 : memref<!tpu.dma_semaphore, #tpu.memory_space<semaphore_mem>>) src(%dma_wait3A_392 : memref<640x64xf32, #tpu.memory_space<hbm>>) dst(%arg10 : memref<640x64xf32, #tpu.memory_space<vmem>>)
      %add3A_393 = arith.constant 2 : i32
      %add3A_394 = arith.addi %add3A_386, %add3A_393 : i32
      %mul3A_395 = arith.constant 40 : i32
      %mul3A_396 = arith.muli %add3A, %mul3A_395 : i32
      %add3A_397 = arith.addi %mul3A_396, %add3A_394 : i32
      %mul3A_398 = arith.constant 640 : i32
      %mul3A_399 = arith.muli %add3A_397, %mul3A_398 : i32
      %dma_start3A_400 = tpu.memref_slice %arg2[%mul3A_399] : memref<819200xi32, #tpu.memory_space<hbm>> -> memref<640xi32, #tpu.memory_space<hbm>>
      %dma_start3A_401 = tpu.memref_slice %arg2[%mul3A_399] : memref<819200xi32, #tpu.memory_space<hbm>> -> memref<640xi32, #tpu.memory_space<hbm>>
      tpu.enqueue_dma source(%dma_start3A_401 : memref<640xi32, #tpu.memory_space<hbm>>) target(%arg8 : memref<640xi32, #tpu.memory_space<vmem>>) target_semaphore(%arg16 : memref<!tpu.dma_semaphore, #tpu.memory_space<semaphore_mem>>)
      %mul3A_402 = arith.constant 40 : i32
      %mul3A_403 = arith.muli %add3A, %mul3A_402 : i32
      %add3A_404 = arith.addi %mul3A_403, %add3A_386 : i32
      %mul3A_405 = arith.constant 640 : i32
      %mul3A_406 = arith.muli %add3A_404, %mul3A_405 : i32
      %dma_start3A_407 = arith.constant 0 : i32
      %dma_start3A_408 = tpu.memref_slice %arg5[%mul3A_406, %dma_start3A_407] : memref<819200x128xf32, #tpu.memory_space<hbm>> -> memref<640x64xf32, #tpu.memory_space<hbm>>
      %dma_start3A_409 = arith.constant 0 : i32
      %dma_start3A_410 = tpu.memref_slice %arg5[%mul3A_406, %dma_start3A_409] : memref<819200x128xf32, #tpu.memory_space<hbm>> -> memref<640x64xf32, #tpu.memory_space<hbm>>
      tpu.enqueue_dma source(%arg10 : memref<640x64xf32, #tpu.memory_space<vmem>>) target(%dma_start3A_410 : memref<640x64xf32, #tpu.memory_space<hbm>>) target_semaphore(%arg14 : memref<!tpu.dma_semaphore, #tpu.memory_space<semaphore_mem>>)
      %dma_wait3A_411 = arith.constant 0 : i32
      %dma_wait3A_412 = arith.constant 0 : i32
      %dma_wait3A_413 = tpu.memref_slice %arg5[%dma_wait3A_411, %dma_wait3A_412] : memref<819200x128xf32, #tpu.memory_space<hbm>> -> memref<640x64xf32, #tpu.memory_space<hbm>>
      %dma_wait3A_414 = arith.constant 0 : i32
      %dma_wait3A_415 = arith.constant 0 : i32
      %dma_wait3A_416 = tpu.memref_slice %arg5[%dma_wait3A_414, %dma_wait3A_415] : memref<819200x128xf32, #tpu.memory_space<hbm>> -> memref<640x64xf32, #tpu.memory_space<hbm>>
      tpu.wait_dma2 semaphore(%arg14 : memref<!tpu.dma_semaphore, #tpu.memory_space<semaphore_mem>>) src(%arg10 : memref<640x64xf32, #tpu.memory_space<vmem>>) dst(%dma_wait3A_416 : memref<640x64xf32, #tpu.memory_space<hbm>>)
      %dma_wait3A_417 = arith.constant 0 : i32
      %dma_wait3A_418 = tpu.memref_slice %arg2[%dma_wait3A_417] : memref<819200xi32, #tpu.memory_space<hbm>> -> memref<640xi32, #tpu.memory_space<hbm>>
      %dma_wait3A_419 = arith.constant 0 : i32
      %dma_wait3A_420 = tpu.memref_slice %arg2[%dma_wait3A_419] : memref<819200xi32, #tpu.memory_space<hbm>> -> memref<640xi32, #tpu.memory_space<hbm>>
      tpu.wait_dma2 semaphore(%arg16 : memref<!tpu.dma_semaphore, #tpu.memory_space<semaphore_mem>>) src(%dma_wait3A_420 : memref<640xi32, #tpu.memory_space<hbm>>) dst(%arg8 : memref<640xi32, #tpu.memory_space<vmem>>)
      %dma_start3A_421 = arith.constant 0 : i32
      %dma_start3A_422 = arith.constant 0 : i32
      %dma_start3A_423 = tpu.memref_slice %arg10[%dma_start3A_421, %dma_start3A_422] : memref<640x64xf32, #tpu.memory_space<vmem>> -> memref<128x64xf32, #tpu.memory_space<vmem>>
      %dma_start3A_424 = arith.constant 0 : i32
      %dma_start3A_425 = tpu.memref_slice %arg8[%dma_start3A_424] : memref<640xi32, #tpu.memory_space<vmem>> -> memref<128xi32, #tpu.memory_space<vmem>>
      %dma_start3A_426 = arith.constant 0 : i32
      %dma_start3A_427 = arith.constant 0 : i32
      %dma_start3A_428 = tpu.memref_slice %arg4[%dma_start3A_426, %dma_start3A_427] : memref<1000000x64xf32, #tpu.memory_space<hbm>> -> memref<1000000x64xf32, #tpu.memory_space<hbm>>
      tpu.enqueue_indirect_dma source(%dma_start3A_428 : memref<1000000x64xf32, #tpu.memory_space<hbm>>) target(%dma_start3A_423 : memref<128x64xf32, #tpu.memory_space<vmem>>) offsets(%dma_start3A_425 : memref<128xi32, #tpu.memory_space<vmem>>) semaphore(%arg12 : memref<!tpu.dma_semaphore, #tpu.memory_space<semaphore_mem>>)
      %dma_start3A_429 = arith.constant 128 : i32
      %dma_start3A_430 = arith.constant 0 : i32
      %dma_start3A_431 = tpu.memref_slice %arg10[%dma_start3A_429, %dma_start3A_430] : memref<640x64xf32, #tpu.memory_space<vmem>> -> memref<128x64xf32, #tpu.memory_space<vmem>>
      %dma_start3A_432 = arith.constant 128 : i32
      %dma_start3A_433 = tpu.memref_slice %arg8[%dma_start3A_432] : memref<640xi32, #tpu.memory_space<vmem>> -> memref<128xi32, #tpu.memory_space<vmem>>
      %dma_start3A_434 = arith.constant 0 : i32
      %dma_start3A_435 = arith.constant 0 : i32
      %dma_start3A_436 = tpu.memref_slice %arg4[%dma_start3A_434, %dma_start3A_435] : memref<1000000x64xf32, #tpu.memory_space<hbm>> -> memref<1000000x64xf32, #tpu.memory_space<hbm>>
      tpu.enqueue_indirect_dma source(%dma_start3A_436 : memref<1000000x64xf32, #tpu.memory_space<hbm>>) target(%dma_start3A_431 : memref<128x64xf32, #tpu.memory_space<vmem>>) offsets(%dma_start3A_433 : memref<128xi32, #tpu.memory_space<vmem>>) semaphore(%arg12 : memref<!tpu.dma_semaphore, #tpu.memory_space<semaphore_mem>>)
      %dma_start3A_437 = arith.constant 256 : i32
      %dma_start3A_438 = arith.constant 0 : i32
      %dma_start3A_439 = tpu.memref_slice %arg10[%dma_start3A_437, %dma_start3A_438] : memref<640x64xf32, #tpu.memory_space<vmem>> -> memref<128x64xf32, #tpu.memory_space<vmem>>
      %dma_start3A_440 = arith.constant 256 : i32
      %dma_start3A_441 = tpu.memref_slice %arg8[%dma_start3A_440] : memref<640xi32, #tpu.memory_space<vmem>> -> memref<128xi32, #tpu.memory_space<vmem>>
      %dma_start3A_442 = arith.constant 0 : i32
      %dma_start3A_443 = arith.constant 0 : i32
      %dma_start3A_444 = tpu.memref_slice %arg4[%dma_start3A_442, %dma_start3A_443] : memref<1000000x64xf32, #tpu.memory_space<hbm>> -> memref<1000000x64xf32, #tpu.memory_space<hbm>>
      tpu.enqueue_indirect_dma source(%dma_start3A_444 : memref<1000000x64xf32, #tpu.memory_space<hbm>>) target(%dma_start3A_439 : memref<128x64xf32, #tpu.memory_space<vmem>>) offsets(%dma_start3A_441 : memref<128xi32, #tpu.memory_space<vmem>>) semaphore(%arg12 : memref<!tpu.dma_semaphore, #tpu.memory_space<semaphore_mem>>)
      %dma_start3A_445 = arith.constant 384 : i32
      %dma_start3A_446 = arith.constant 0 : i32
      %dma_start3A_447 = tpu.memref_slice %arg10[%dma_start3A_445, %dma_start3A_446] : memref<640x64xf32, #tpu.memory_space<vmem>> -> memref<128x64xf32, #tpu.memory_space<vmem>>
      %dma_start3A_448 = arith.constant 384 : i32
      %dma_start3A_449 = tpu.memref_slice %arg8[%dma_start3A_448] : memref<640xi32, #tpu.memory_space<vmem>> -> memref<128xi32, #tpu.memory_space<vmem>>
      %dma_start3A_450 = arith.constant 0 : i32
      %dma_start3A_451 = arith.constant 0 : i32
      %dma_start3A_452 = tpu.memref_slice %arg4[%dma_start3A_450, %dma_start3A_451] : memref<1000000x64xf32, #tpu.memory_space<hbm>> -> memref<1000000x64xf32, #tpu.memory_space<hbm>>
      tpu.enqueue_indirect_dma source(%dma_start3A_452 : memref<1000000x64xf32, #tpu.memory_space<hbm>>) target(%dma_start3A_447 : memref<128x64xf32, #tpu.memory_space<vmem>>) offsets(%dma_start3A_449 : memref<128xi32, #tpu.memory_space<vmem>>) semaphore(%arg12 : memref<!tpu.dma_semaphore, #tpu.memory_space<semaphore_mem>>)
      %dma_start3A_453 = arith.constant 512 : i32
      %dma_start3A_454 = arith.constant 0 : i32
      %dma_start3A_455 = tpu.memref_slice %arg10[%dma_start3A_453, %dma_start3A_454] : memref<640x64xf32, #tpu.memory_space<vmem>> -> memref<128x64xf32, #tpu.memory_space<vmem>>
      %dma_start3A_456 = arith.constant 512 : i32
      %dma_start3A_457 = tpu.memref_slice %arg8[%dma_start3A_456] : memref<640xi32, #tpu.memory_space<vmem>> -> memref<128xi32, #tpu.memory_space<vmem>>
      %dma_start3A_458 = arith.constant 0 : i32
      %dma_start3A_459 = arith.constant 0 : i32
      %dma_start3A_460 = tpu.memref_slice %arg4[%dma_start3A_458, %dma_start3A_459] : memref<1000000x64xf32, #tpu.memory_space<hbm>> -> memref<1000000x64xf32, #tpu.memory_space<hbm>>
      tpu.enqueue_indirect_dma source(%dma_start3A_460 : memref<1000000x64xf32, #tpu.memory_space<hbm>>) target(%dma_start3A_455 : memref<128x64xf32, #tpu.memory_space<vmem>>) offsets(%dma_start3A_457 : memref<128xi32, #tpu.memory_space<vmem>>) semaphore(%arg12 : memref<!tpu.dma_semaphore, #tpu.memory_space<semaphore_mem>>)
    }
    %scan3A_106 = arith.constant 19 : i32
    %dma_wait3A_107 = arith.constant 0 : i32
    %dma_wait3A_108 = arith.constant 0 : i32
    %dma_wait3A_109 = tpu.memref_slice %arg4[%dma_wait3A_107, %dma_wait3A_108] : memref<1000000x64xf32, #tpu.memory_space<hbm>> -> memref<640x64xf32, #tpu.memory_space<hbm>>
    %dma_wait3A_110 = arith.constant 0 : i32
    %dma_wait3A_111 = arith.constant 0 : i32
    %dma_wait3A_112 = tpu.memref_slice %arg4[%dma_wait3A_110, %dma_wait3A_111] : memref<1000000x64xf32, #tpu.memory_space<hbm>> -> memref<640x64xf32, #tpu.memory_space<hbm>>
    tpu.wait_dma2 semaphore(%arg11 : memref<!tpu.dma_semaphore, #tpu.memory_space<semaphore_mem>>) src(%dma_wait3A_112 : memref<640x64xf32, #tpu.memory_space<hbm>>) dst(%arg9 : memref<640x64xf32, #tpu.memory_space<vmem>>)
    %mul3A_113 = arith.constant 40 : i32
    %mul3A_114 = arith.muli %add3A, %mul3A_113 : i32
    %add3A_115 = arith.constant 38 : i32
    %add3A_116 = arith.addi %mul3A_114, %add3A_115 : i32
    %mul3A_117 = arith.constant 640 : i32
    %mul3A_118 = arith.muli %add3A_116, %mul3A_117 : i32
    %dma_start3A_119 = arith.constant 0 : i32
    %dma_start3A_120 = tpu.memref_slice %arg5[%mul3A_118, %dma_start3A_119] : memref<819200x128xf32, #tpu.memory_space<hbm>> -> memref<640x64xf32, #tpu.memory_space<hbm>>
    %dma_start3A_121 = arith.constant 0 : i32
    %dma_start3A_122 = tpu.memref_slice %arg5[%mul3A_118, %dma_start3A_121] : memref<819200x128xf32, #tpu.memory_space<hbm>> -> memref<640x64xf32, #tpu.memory_space<hbm>>
    tpu.enqueue_dma source(%arg9 : memref<640x64xf32, #tpu.memory_space<vmem>>) target(%dma_start3A_122 : memref<640x64xf32, #tpu.memory_space<hbm>>) target_semaphore(%arg13 : memref<!tpu.dma_semaphore, #tpu.memory_space<semaphore_mem>>)
    %dma_wait3A_123 = arith.constant 0 : i32
    %dma_wait3A_124 = arith.constant 0 : i32
    %dma_wait3A_125 = tpu.memref_slice %arg5[%dma_wait3A_123, %dma_wait3A_124] : memref<819200x128xf32, #tpu.memory_space<hbm>> -> memref<640x64xf32, #tpu.memory_space<hbm>>
    %dma_wait3A_126 = arith.constant 0 : i32
    %dma_wait3A_127 = arith.constant 0 : i32
    %dma_wait3A_128 = tpu.memref_slice %arg5[%dma_wait3A_126, %dma_wait3A_127] : memref<819200x128xf32, #tpu.memory_space<hbm>> -> memref<640x64xf32, #tpu.memory_space<hbm>>
    tpu.wait_dma2 semaphore(%arg13 : memref<!tpu.dma_semaphore, #tpu.memory_space<semaphore_mem>>) src(%arg9 : memref<640x64xf32, #tpu.memory_space<vmem>>) dst(%dma_wait3A_128 : memref<640x64xf32, #tpu.memory_space<hbm>>)
    %dma_wait3A_129 = arith.constant 0 : i32
    %dma_wait3A_130 = arith.constant 0 : i32
    %dma_wait3A_131 = tpu.memref_slice %arg4[%dma_wait3A_129, %dma_wait3A_130] : memref<1000000x64xf32, #tpu.memory_space<hbm>> -> memref<640x64xf32, #tpu.memory_space<hbm>>
    %dma_wait3A_132 = arith.constant 0 : i32
    %dma_wait3A_133 = arith.constant 0 : i32
    %dma_wait3A_134 = tpu.memref_slice %arg4[%dma_wait3A_132, %dma_wait3A_133] : memref<1000000x64xf32, #tpu.memory_space<hbm>> -> memref<640x64xf32, #tpu.memory_space<hbm>>
    tpu.wait_dma2 semaphore(%arg12 : memref<!tpu.dma_semaphore, #tpu.memory_space<semaphore_mem>>) src(%dma_wait3A_134 : memref<640x64xf32, #tpu.memory_space<hbm>>) dst(%arg10 : memref<640x64xf32, #tpu.memory_space<vmem>>)
    %mul3A_135 = arith.constant 40 : i32
    %mul3A_136 = arith.muli %add3A, %mul3A_135 : i32
    %add3A_137 = arith.constant 39 : i32
    %add3A_138 = arith.addi %mul3A_136, %add3A_137 : i32
    %mul3A_139 = arith.constant 640 : i32
    %mul3A_140 = arith.muli %add3A_138, %mul3A_139 : i32
    %dma_start3A_141 = arith.constant 0 : i32
    %dma_start3A_142 = tpu.memref_slice %arg5[%mul3A_140, %dma_start3A_141] : memref<819200x128xf32, #tpu.memory_space<hbm>> -> memref<640x64xf32, #tpu.memory_space<hbm>>
    %dma_start3A_143 = arith.constant 0 : i32
    %dma_start3A_144 = tpu.memref_slice %arg5[%mul3A_140, %dma_start3A_143] : memref<819200x128xf32, #tpu.memory_space<hbm>> -> memref<640x64xf32, #tpu.memory_space<hbm>>
    tpu.enqueue_dma source(%arg10 : memref<640x64xf32, #tpu.memory_space<vmem>>) target(%dma_start3A_144 : memref<640x64xf32, #tpu.memory_space<hbm>>) target_semaphore(%arg14 : memref<!tpu.dma_semaphore, #tpu.memory_space<semaphore_mem>>)
    %dma_wait3A_145 = arith.constant 0 : i32
    %dma_wait3A_146 = arith.constant 0 : i32
    %dma_wait3A_147 = tpu.memref_slice %arg5[%dma_wait3A_145, %dma_wait3A_146] : memref<819200x128xf32, #tpu.memory_space<hbm>> -> memref<640x64xf32, #tpu.memory_space<hbm>>
    %dma_wait3A_148 = arith.constant 0 : i32
    %dma_wait3A_149 = arith.constant 0 : i32
    %dma_wait3A_150 = tpu.memref_slice %arg5[%dma_wait3A_148, %dma_wait3A_149] : memref<819200x128xf32, #tpu.memory_space<hbm>> -> memref<640x64xf32, #tpu.memory_space<hbm>>
    tpu.wait_dma2 semaphore(%arg14 : memref<!tpu.dma_semaphore, #tpu.memory_space<semaphore_mem>>) src(%arg10 : memref<640x64xf32, #tpu.memory_space<vmem>>) dst(%dma_wait3A_150 : memref<640x64xf32, #tpu.memory_space<hbm>>)
    %mul3A_151 = arith.constant 40 : i32
    %mul3A_152 = arith.muli %add3A, %mul3A_151 : i32
    %add3A_153 = arith.constant 0 : i32
    %add3A_154 = arith.addi %mul3A_152, %add3A_153 : i32
    %mul3A_155 = arith.constant 640 : i32
    %mul3A_156 = arith.muli %add3A_154, %mul3A_155 : i32
    %dma_start3A_157 = tpu.memref_slice %arg3[%mul3A_156] : memref<819200xi32, #tpu.memory_space<hbm>> -> memref<640xi32, #tpu.memory_space<hbm>>
    %dma_start3A_158 = tpu.memref_slice %arg3[%mul3A_156] : memref<819200xi32, #tpu.memory_space<hbm>> -> memref<640xi32, #tpu.memory_space<hbm>>
    tpu.enqueue_dma source(%dma_start3A_158 : memref<640xi32, #tpu.memory_space<hbm>>) target(%arg7 : memref<640xi32, #tpu.memory_space<vmem>>) target_semaphore(%arg15 : memref<!tpu.dma_semaphore, #tpu.memory_space<semaphore_mem>>)
    %mul3A_159 = arith.constant 40 : i32
    %mul3A_160 = arith.muli %add3A, %mul3A_159 : i32
    %add3A_161 = arith.constant 1 : i32
    %add3A_162 = arith.addi %mul3A_160, %add3A_161 : i32
    %mul3A_163 = arith.constant 640 : i32
    %mul3A_164 = arith.muli %add3A_162, %mul3A_163 : i32
    %dma_start3A_165 = tpu.memref_slice %arg3[%mul3A_164] : memref<819200xi32, #tpu.memory_space<hbm>> -> memref<640xi32, #tpu.memory_space<hbm>>
    %dma_start3A_166 = tpu.memref_slice %arg3[%mul3A_164] : memref<819200xi32, #tpu.memory_space<hbm>> -> memref<640xi32, #tpu.memory_space<hbm>>
    tpu.enqueue_dma source(%dma_start3A_166 : memref<640xi32, #tpu.memory_space<hbm>>) target(%arg8 : memref<640xi32, #tpu.memory_space<vmem>>) target_semaphore(%arg16 : memref<!tpu.dma_semaphore, #tpu.memory_space<semaphore_mem>>)
    %dma_wait3A_167 = arith.constant 0 : i32
    %dma_wait3A_168 = tpu.memref_slice %arg3[%dma_wait3A_167] : memref<819200xi32, #tpu.memory_space<hbm>> -> memref<640xi32, #tpu.memory_space<hbm>>
    %dma_wait3A_169 = arith.constant 0 : i32
    %dma_wait3A_170 = tpu.memref_slice %arg3[%dma_wait3A_169] : memref<819200xi32, #tpu.memory_space<hbm>> -> memref<640xi32, #tpu.memory_space<hbm>>
    tpu.wait_dma2 semaphore(%arg15 : memref<!tpu.dma_semaphore, #tpu.memory_space<semaphore_mem>>) src(%dma_wait3A_170 : memref<640xi32, #tpu.memory_space<hbm>>) dst(%arg7 : memref<640xi32, #tpu.memory_space<vmem>>)
    %dma_start3A_171 = arith.constant 0 : i32
    %dma_start3A_172 = arith.constant 0 : i32
    %dma_start3A_173 = tpu.memref_slice %arg9[%dma_start3A_171, %dma_start3A_172] : memref<640x64xf32, #tpu.memory_space<vmem>> -> memref<128x64xf32, #tpu.memory_space<vmem>>
    %dma_start3A_174 = arith.constant 0 : i32
    %dma_start3A_175 = tpu.memref_slice %arg7[%dma_start3A_174] : memref<640xi32, #tpu.memory_space<vmem>> -> memref<128xi32, #tpu.memory_space<vmem>>
    %dma_start3A_176 = arith.constant 0 : i32
    %dma_start3A_177 = arith.constant 0 : i32
    %dma_start3A_178 = tpu.memref_slice %arg4[%dma_start3A_176, %dma_start3A_177] : memref<1000000x64xf32, #tpu.memory_space<hbm>> -> memref<1000000x64xf32, #tpu.memory_space<hbm>>
    tpu.enqueue_indirect_dma source(%dma_start3A_178 : memref<1000000x64xf32, #tpu.memory_space<hbm>>) target(%dma_start3A_173 : memref<128x64xf32, #tpu.memory_space<vmem>>) offsets(%dma_start3A_175 : memref<128xi32, #tpu.memory_space<vmem>>) semaphore(%arg11 : memref<!tpu.dma_semaphore, #tpu.memory_space<semaphore_mem>>)
    %dma_start3A_179 = arith.constant 128 : i32
    %dma_start3A_180 = arith.constant 0 : i32
    %dma_start3A_181 = tpu.memref_slice %arg9[%dma_start3A_179, %dma_start3A_180] : memref<640x64xf32, #tpu.memory_space<vmem>> -> memref<128x64xf32, #tpu.memory_space<vmem>>
    %dma_start3A_182 = arith.constant 128 : i32
    %dma_start3A_183 = tpu.memref_slice %arg7[%dma_start3A_182] : memref<640xi32, #tpu.memory_space<vmem>> -> memref<128xi32, #tpu.memory_space<vmem>>
    %dma_start3A_184 = arith.constant 0 : i32
    %dma_start3A_185 = arith.constant 0 : i32
    %dma_start3A_186 = tpu.memref_slice %arg4[%dma_start3A_184, %dma_start3A_185] : memref<1000000x64xf32, #tpu.memory_space<hbm>> -> memref<1000000x64xf32, #tpu.memory_space<hbm>>
    tpu.enqueue_indirect_dma source(%dma_start3A_186 : memref<1000000x64xf32, #tpu.memory_space<hbm>>) target(%dma_start3A_181 : memref<128x64xf32, #tpu.memory_space<vmem>>) offsets(%dma_start3A_183 : memref<128xi32, #tpu.memory_space<vmem>>) semaphore(%arg11 : memref<!tpu.dma_semaphore, #tpu.memory_space<semaphore_mem>>)
    %dma_start3A_187 = arith.constant 256 : i32
    %dma_start3A_188 = arith.constant 0 : i32
    %dma_start3A_189 = tpu.memref_slice %arg9[%dma_start3A_187, %dma_start3A_188] : memref<640x64xf32, #tpu.memory_space<vmem>> -> memref<128x64xf32, #tpu.memory_space<vmem>>
    %dma_start3A_190 = arith.constant 256 : i32
    %dma_start3A_191 = tpu.memref_slice %arg7[%dma_start3A_190] : memref<640xi32, #tpu.memory_space<vmem>> -> memref<128xi32, #tpu.memory_space<vmem>>
    %dma_start3A_192 = arith.constant 0 : i32
    %dma_start3A_193 = arith.constant 0 : i32
    %dma_start3A_194 = tpu.memref_slice %arg4[%dma_start3A_192, %dma_start3A_193] : memref<1000000x64xf32, #tpu.memory_space<hbm>> -> memref<1000000x64xf32, #tpu.memory_space<hbm>>
    tpu.enqueue_indirect_dma source(%dma_start3A_194 : memref<1000000x64xf32, #tpu.memory_space<hbm>>) target(%dma_start3A_189 : memref<128x64xf32, #tpu.memory_space<vmem>>) offsets(%dma_start3A_191 : memref<128xi32, #tpu.memory_space<vmem>>) semaphore(%arg11 : memref<!tpu.dma_semaphore, #tpu.memory_space<semaphore_mem>>)
    %dma_start3A_195 = arith.constant 384 : i32
    %dma_start3A_196 = arith.constant 0 : i32
    %dma_start3A_197 = tpu.memref_slice %arg9[%dma_start3A_195, %dma_start3A_196] : memref<640x64xf32, #tpu.memory_space<vmem>> -> memref<128x64xf32, #tpu.memory_space<vmem>>
    %dma_start3A_198 = arith.constant 384 : i32
    %dma_start3A_199 = tpu.memref_slice %arg7[%dma_start3A_198] : memref<640xi32, #tpu.memory_space<vmem>> -> memref<128xi32, #tpu.memory_space<vmem>>
    %dma_start3A_200 = arith.constant 0 : i32
    %dma_start3A_201 = arith.constant 0 : i32
    %dma_start3A_202 = tpu.memref_slice %arg4[%dma_start3A_200, %dma_start3A_201] : memref<1000000x64xf32, #tpu.memory_space<hbm>> -> memref<1000000x64xf32, #tpu.memory_space<hbm>>
    tpu.enqueue_indirect_dma source(%dma_start3A_202 : memref<1000000x64xf32, #tpu.memory_space<hbm>>) target(%dma_start3A_197 : memref<128x64xf32, #tpu.memory_space<vmem>>) offsets(%dma_start3A_199 : memref<128xi32, #tpu.memory_space<vmem>>) semaphore(%arg11 : memref<!tpu.dma_semaphore, #tpu.memory_space<semaphore_mem>>)
    %dma_start3A_203 = arith.constant 512 : i32
    %dma_start3A_204 = arith.constant 0 : i32
    %dma_start3A_205 = tpu.memref_slice %arg9[%dma_start3A_203, %dma_start3A_204] : memref<640x64xf32, #tpu.memory_space<vmem>> -> memref<128x64xf32, #tpu.memory_space<vmem>>
    %dma_start3A_206 = arith.constant 512 : i32
    %dma_start3A_207 = tpu.memref_slice %arg7[%dma_start3A_206] : memref<640xi32, #tpu.memory_space<vmem>> -> memref<128xi32, #tpu.memory_space<vmem>>
    %dma_start3A_208 = arith.constant 0 : i32
    %dma_start3A_209 = arith.constant 0 : i32
    %dma_start3A_210 = tpu.memref_slice %arg4[%dma_start3A_208, %dma_start3A_209] : memref<1000000x64xf32, #tpu.memory_space<hbm>> -> memref<1000000x64xf32, #tpu.memory_space<hbm>>
    tpu.enqueue_indirect_dma source(%dma_start3A_210 : memref<1000000x64xf32, #tpu.memory_space<hbm>>) target(%dma_start3A_205 : memref<128x64xf32, #tpu.memory_space<vmem>>) offsets(%dma_start3A_207 : memref<128xi32, #tpu.memory_space<vmem>>) semaphore(%arg11 : memref<!tpu.dma_semaphore, #tpu.memory_space<semaphore_mem>>)
    %dma_wait3A_211 = arith.constant 0 : i32
    %dma_wait3A_212 = tpu.memref_slice %arg3[%dma_wait3A_211] : memref<819200xi32, #tpu.memory_space<hbm>> -> memref<640xi32, #tpu.memory_space<hbm>>
    %dma_wait3A_213 = arith.constant 0 : i32
    %dma_wait3A_214 = tpu.memref_slice %arg3[%dma_wait3A_213] : memref<819200xi32, #tpu.memory_space<hbm>> -> memref<640xi32, #tpu.memory_space<hbm>>
    tpu.wait_dma2 semaphore(%arg16 : memref<!tpu.dma_semaphore, #tpu.memory_space<semaphore_mem>>) src(%dma_wait3A_214 : memref<640xi32, #tpu.memory_space<hbm>>) dst(%arg8 : memref<640xi32, #tpu.memory_space<vmem>>)
    %dma_start3A_215 = arith.constant 0 : i32
    %dma_start3A_216 = arith.constant 0 : i32
    %dma_start3A_217 = tpu.memref_slice %arg10[%dma_start3A_215, %dma_start3A_216] : memref<640x64xf32, #tpu.memory_space<vmem>> -> memref<128x64xf32, #tpu.memory_space<vmem>>
    %dma_start3A_218 = arith.constant 0 : i32
    %dma_start3A_219 = tpu.memref_slice %arg8[%dma_start3A_218] : memref<640xi32, #tpu.memory_space<vmem>> -> memref<128xi32, #tpu.memory_space<vmem>>
    %dma_start3A_220 = arith.constant 0 : i32
    %dma_start3A_221 = arith.constant 0 : i32
    %dma_start3A_222 = tpu.memref_slice %arg4[%dma_start3A_220, %dma_start3A_221] : memref<1000000x64xf32, #tpu.memory_space<hbm>> -> memref<1000000x64xf32, #tpu.memory_space<hbm>>
    tpu.enqueue_indirect_dma source(%dma_start3A_222 : memref<1000000x64xf32, #tpu.memory_space<hbm>>) target(%dma_start3A_217 : memref<128x64xf32, #tpu.memory_space<vmem>>) offsets(%dma_start3A_219 : memref<128xi32, #tpu.memory_space<vmem>>) semaphore(%arg12 : memref<!tpu.dma_semaphore, #tpu.memory_space<semaphore_mem>>)
    %dma_start3A_223 = arith.constant 128 : i32
    %dma_start3A_224 = arith.constant 0 : i32
    %dma_start3A_225 = tpu.memref_slice %arg10[%dma_start3A_223, %dma_start3A_224] : memref<640x64xf32, #tpu.memory_space<vmem>> -> memref<128x64xf32, #tpu.memory_space<vmem>>
    %dma_start3A_226 = arith.constant 128 : i32
    %dma_start3A_227 = tpu.memref_slice %arg8[%dma_start3A_226] : memref<640xi32, #tpu.memory_space<vmem>> -> memref<128xi32, #tpu.memory_space<vmem>>
    %dma_start3A_228 = arith.constant 0 : i32
    %dma_start3A_229 = arith.constant 0 : i32
    %dma_start3A_230 = tpu.memref_slice %arg4[%dma_start3A_228, %dma_start3A_229] : memref<1000000x64xf32, #tpu.memory_space<hbm>> -> memref<1000000x64xf32, #tpu.memory_space<hbm>>
    tpu.enqueue_indirect_dma source(%dma_start3A_230 : memref<1000000x64xf32, #tpu.memory_space<hbm>>) target(%dma_start3A_225 : memref<128x64xf32, #tpu.memory_space<vmem>>) offsets(%dma_start3A_227 : memref<128xi32, #tpu.memory_space<vmem>>) semaphore(%arg12 : memref<!tpu.dma_semaphore, #tpu.memory_space<semaphore_mem>>)
    %dma_start3A_231 = arith.constant 256 : i32
    %dma_start3A_232 = arith.constant 0 : i32
    %dma_start3A_233 = tpu.memref_slice %arg10[%dma_start3A_231, %dma_start3A_232] : memref<640x64xf32, #tpu.memory_space<vmem>> -> memref<128x64xf32, #tpu.memory_space<vmem>>
    %dma_start3A_234 = arith.constant 256 : i32
    %dma_start3A_235 = tpu.memref_slice %arg8[%dma_start3A_234] : memref<640xi32, #tpu.memory_space<vmem>> -> memref<128xi32, #tpu.memory_space<vmem>>
    %dma_start3A_236 = arith.constant 0 : i32
    %dma_start3A_237 = arith.constant 0 : i32
    %dma_start3A_238 = tpu.memref_slice %arg4[%dma_start3A_236, %dma_start3A_237] : memref<1000000x64xf32, #tpu.memory_space<hbm>> -> memref<1000000x64xf32, #tpu.memory_space<hbm>>
    tpu.enqueue_indirect_dma source(%dma_start3A_238 : memref<1000000x64xf32, #tpu.memory_space<hbm>>) target(%dma_start3A_233 : memref<128x64xf32, #tpu.memory_space<vmem>>) offsets(%dma_start3A_235 : memref<128xi32, #tpu.memory_space<vmem>>) semaphore(%arg12 : memref<!tpu.dma_semaphore, #tpu.memory_space<semaphore_mem>>)
    %dma_start3A_239 = arith.constant 384 : i32
    %dma_start3A_240 = arith.constant 0 : i32
    %dma_start3A_241 = tpu.memref_slice %arg10[%dma_start3A_239, %dma_start3A_240] : memref<640x64xf32, #tpu.memory_space<vmem>> -> memref<128x64xf32, #tpu.memory_space<vmem>>
    %dma_start3A_242 = arith.constant 384 : i32
    %dma_start3A_243 = tpu.memref_slice %arg8[%dma_start3A_242] : memref<640xi32, #tpu.memory_space<vmem>> -> memref<128xi32, #tpu.memory_space<vmem>>
    %dma_start3A_244 = arith.constant 0 : i32
    %dma_start3A_245 = arith.constant 0 : i32
    %dma_start3A_246 = tpu.memref_slice %arg4[%dma_start3A_244, %dma_start3A_245] : memref<1000000x64xf32, #tpu.memory_space<hbm>> -> memref<1000000x64xf32, #tpu.memory_space<hbm>>
    tpu.enqueue_indirect_dma source(%dma_start3A_246 : memref<1000000x64xf32, #tpu.memory_space<hbm>>) target(%dma_start3A_241 : memref<128x64xf32, #tpu.memory_space<vmem>>) offsets(%dma_start3A_243 : memref<128xi32, #tpu.memory_space<vmem>>) semaphore(%arg12 : memref<!tpu.dma_semaphore, #tpu.memory_space<semaphore_mem>>)
    %dma_start3A_247 = arith.constant 512 : i32
    %dma_start3A_248 = arith.constant 0 : i32
    %dma_start3A_249 = tpu.memref_slice %arg10[%dma_start3A_247, %dma_start3A_248] : memref<640x64xf32, #tpu.memory_space<vmem>> -> memref<128x64xf32, #tpu.memory_space<vmem>>
    %dma_start3A_250 = arith.constant 512 : i32
    %dma_start3A_251 = tpu.memref_slice %arg8[%dma_start3A_250] : memref<640xi32, #tpu.memory_space<vmem>> -> memref<128xi32, #tpu.memory_space<vmem>>
    %dma_start3A_252 = arith.constant 0 : i32
    %dma_start3A_253 = arith.constant 0 : i32
    %dma_start3A_254 = tpu.memref_slice %arg4[%dma_start3A_252, %dma_start3A_253] : memref<1000000x64xf32, #tpu.memory_space<hbm>> -> memref<1000000x64xf32, #tpu.memory_space<hbm>>
    tpu.enqueue_indirect_dma source(%dma_start3A_254 : memref<1000000x64xf32, #tpu.memory_space<hbm>>) target(%dma_start3A_249 : memref<128x64xf32, #tpu.memory_space<vmem>>) offsets(%dma_start3A_251 : memref<128xi32, #tpu.memory_space<vmem>>) semaphore(%arg12 : memref<!tpu.dma_semaphore, #tpu.memory_space<semaphore_mem>>)
    %scan3A_255 = arith.constant 0 : i32
    %scan3A_256 = arith.constant 19 : i32
    %scan3A_257 = arith.addi %scan3A_255, %scan3A_256 : i32
    %scan3A_258 = arith.constant 1 : i32
    scf.for %scan3A_304 = %scan3A_255 to %scan3A_257 step %scan3A_258  : i32 {
      %mul3A_305 = arith.constant 2 : i32
      %mul3A_306 = arith.muli %scan3A_304, %mul3A_305 : i32
      %add3A_307 = arith.constant 0 : i32
      %add3A_308 = arith.addi %add3A_307, %mul3A_306 : i32
      %add3A_309 = arith.constant 0 : i32
      %add3A_310 = arith.addi %add3A_308, %add3A_309 : i32
      %dma_wait3A_311 = arith.constant 0 : i32
      %dma_wait3A_312 = arith.constant 0 : i32
      %dma_wait3A_313 = tpu.memref_slice %arg4[%dma_wait3A_311, %dma_wait3A_312] : memref<1000000x64xf32, #tpu.memory_space<hbm>> -> memref<640x64xf32, #tpu.memory_space<hbm>>
      %dma_wait3A_314 = arith.constant 0 : i32
      %dma_wait3A_315 = arith.constant 0 : i32
      %dma_wait3A_316 = tpu.memref_slice %arg4[%dma_wait3A_314, %dma_wait3A_315] : memref<1000000x64xf32, #tpu.memory_space<hbm>> -> memref<640x64xf32, #tpu.memory_space<hbm>>
      tpu.wait_dma2 semaphore(%arg11 : memref<!tpu.dma_semaphore, #tpu.memory_space<semaphore_mem>>) src(%dma_wait3A_316 : memref<640x64xf32, #tpu.memory_space<hbm>>) dst(%arg9 : memref<640x64xf32, #tpu.memory_space<vmem>>)
      %add3A_317 = arith.constant 2 : i32
      %add3A_318 = arith.addi %add3A_310, %add3A_317 : i32
      %mul3A_319 = arith.constant 40 : i32
      %mul3A_320 = arith.muli %add3A, %mul3A_319 : i32
      %add3A_321 = arith.addi %mul3A_320, %add3A_318 : i32
      %mul3A_322 = arith.constant 640 : i32
      %mul3A_323 = arith.muli %add3A_321, %mul3A_322 : i32
      %dma_start3A_324 = tpu.memref_slice %arg3[%mul3A_323] : memref<819200xi32, #tpu.memory_space<hbm>> -> memref<640xi32, #tpu.memory_space<hbm>>
      %dma_start3A_325 = tpu.memref_slice %arg3[%mul3A_323] : memref<819200xi32, #tpu.memory_space<hbm>> -> memref<640xi32, #tpu.memory_space<hbm>>
      tpu.enqueue_dma source(%dma_start3A_325 : memref<640xi32, #tpu.memory_space<hbm>>) target(%arg7 : memref<640xi32, #tpu.memory_space<vmem>>) target_semaphore(%arg15 : memref<!tpu.dma_semaphore, #tpu.memory_space<semaphore_mem>>)
      %mul3A_326 = arith.constant 40 : i32
      %mul3A_327 = arith.muli %add3A, %mul3A_326 : i32
      %add3A_328 = arith.addi %mul3A_327, %add3A_310 : i32
      %mul3A_329 = arith.constant 640 : i32
      %mul3A_330 = arith.muli %add3A_328, %mul3A_329 : i32
      %dma_start3A_331 = arith.constant 0 : i32
      %dma_start3A_332 = tpu.memref_slice %arg6[%mul3A_330, %dma_start3A_331] : memref<819200x128xf32, #tpu.memory_space<hbm>> -> memref<640x64xf32, #tpu.memory_space<hbm>>
      %dma_start3A_333 = arith.constant 0 : i32
      %dma_start3A_334 = tpu.memref_slice %arg6[%mul3A_330, %dma_start3A_333] : memref<819200x128xf32, #tpu.memory_space<hbm>> -> memref<640x64xf32, #tpu.memory_space<hbm>>
      tpu.enqueue_dma source(%arg9 : memref<640x64xf32, #tpu.memory_space<vmem>>) target(%dma_start3A_334 : memref<640x64xf32, #tpu.memory_space<hbm>>) target_semaphore(%arg13 : memref<!tpu.dma_semaphore, #tpu.memory_space<semaphore_mem>>)
      %dma_wait3A_335 = arith.constant 0 : i32
      %dma_wait3A_336 = arith.constant 0 : i32
      %dma_wait3A_337 = tpu.memref_slice %arg6[%dma_wait3A_335, %dma_wait3A_336] : memref<819200x128xf32, #tpu.memory_space<hbm>> -> memref<640x64xf32, #tpu.memory_space<hbm>>
      %dma_wait3A_338 = arith.constant 0 : i32
      %dma_wait3A_339 = arith.constant 0 : i32
      %dma_wait3A_340 = tpu.memref_slice %arg6[%dma_wait3A_338, %dma_wait3A_339] : memref<819200x128xf32, #tpu.memory_space<hbm>> -> memref<640x64xf32, #tpu.memory_space<hbm>>
      tpu.wait_dma2 semaphore(%arg13 : memref<!tpu.dma_semaphore, #tpu.memory_space<semaphore_mem>>) src(%arg9 : memref<640x64xf32, #tpu.memory_space<vmem>>) dst(%dma_wait3A_340 : memref<640x64xf32, #tpu.memory_space<hbm>>)
      %dma_wait3A_341 = arith.constant 0 : i32
      %dma_wait3A_342 = tpu.memref_slice %arg3[%dma_wait3A_341] : memref<819200xi32, #tpu.memory_space<hbm>> -> memref<640xi32, #tpu.memory_space<hbm>>
      %dma_wait3A_343 = arith.constant 0 : i32
      %dma_wait3A_344 = tpu.memref_slice %arg3[%dma_wait3A_343] : memref<819200xi32, #tpu.memory_space<hbm>> -> memref<640xi32, #tpu.memory_space<hbm>>
      tpu.wait_dma2 semaphore(%arg15 : memref<!tpu.dma_semaphore, #tpu.memory_space<semaphore_mem>>) src(%dma_wait3A_344 : memref<640xi32, #tpu.memory_space<hbm>>) dst(%arg7 : memref<640xi32, #tpu.memory_space<vmem>>)
      %dma_start3A_345 = arith.constant 0 : i32
      %dma_start3A_346 = arith.constant 0 : i32
      %dma_start3A_347 = tpu.memref_slice %arg9[%dma_start3A_345, %dma_start3A_346] : memref<640x64xf32, #tpu.memory_space<vmem>> -> memref<128x64xf32, #tpu.memory_space<vmem>>
      %dma_start3A_348 = arith.constant 0 : i32
      %dma_start3A_349 = tpu.memref_slice %arg7[%dma_start3A_348] : memref<640xi32, #tpu.memory_space<vmem>> -> memref<128xi32, #tpu.memory_space<vmem>>
      %dma_start3A_350 = arith.constant 0 : i32
      %dma_start3A_351 = arith.constant 0 : i32
      %dma_start3A_352 = tpu.memref_slice %arg4[%dma_start3A_350, %dma_start3A_351] : memref<1000000x64xf32, #tpu.memory_space<hbm>> -> memref<1000000x64xf32, #tpu.memory_space<hbm>>
      tpu.enqueue_indirect_dma source(%dma_start3A_352 : memref<1000000x64xf32, #tpu.memory_space<hbm>>) target(%dma_start3A_347 : memref<128x64xf32, #tpu.memory_space<vmem>>) offsets(%dma_start3A_349 : memref<128xi32, #tpu.memory_space<vmem>>) semaphore(%arg11 : memref<!tpu.dma_semaphore, #tpu.memory_space<semaphore_mem>>)
      %dma_start3A_353 = arith.constant 128 : i32
      %dma_start3A_354 = arith.constant 0 : i32
      %dma_start3A_355 = tpu.memref_slice %arg9[%dma_start3A_353, %dma_start3A_354] : memref<640x64xf32, #tpu.memory_space<vmem>> -> memref<128x64xf32, #tpu.memory_space<vmem>>
      %dma_start3A_356 = arith.constant 128 : i32
      %dma_start3A_357 = tpu.memref_slice %arg7[%dma_start3A_356] : memref<640xi32, #tpu.memory_space<vmem>> -> memref<128xi32, #tpu.memory_space<vmem>>
      %dma_start3A_358 = arith.constant 0 : i32
      %dma_start3A_359 = arith.constant 0 : i32
      %dma_start3A_360 = tpu.memref_slice %arg4[%dma_start3A_358, %dma_start3A_359] : memref<1000000x64xf32, #tpu.memory_space<hbm>> -> memref<1000000x64xf32, #tpu.memory_space<hbm>>
      tpu.enqueue_indirect_dma source(%dma_start3A_360 : memref<1000000x64xf32, #tpu.memory_space<hbm>>) target(%dma_start3A_355 : memref<128x64xf32, #tpu.memory_space<vmem>>) offsets(%dma_start3A_357 : memref<128xi32, #tpu.memory_space<vmem>>) semaphore(%arg11 : memref<!tpu.dma_semaphore, #tpu.memory_space<semaphore_mem>>)
      %dma_start3A_361 = arith.constant 256 : i32
      %dma_start3A_362 = arith.constant 0 : i32
      %dma_start3A_363 = tpu.memref_slice %arg9[%dma_start3A_361, %dma_start3A_362] : memref<640x64xf32, #tpu.memory_space<vmem>> -> memref<128x64xf32, #tpu.memory_space<vmem>>
      %dma_start3A_364 = arith.constant 256 : i32
      %dma_start3A_365 = tpu.memref_slice %arg7[%dma_start3A_364] : memref<640xi32, #tpu.memory_space<vmem>> -> memref<128xi32, #tpu.memory_space<vmem>>
      %dma_start3A_366 = arith.constant 0 : i32
      %dma_start3A_367 = arith.constant 0 : i32
      %dma_start3A_368 = tpu.memref_slice %arg4[%dma_start3A_366, %dma_start3A_367] : memref<1000000x64xf32, #tpu.memory_space<hbm>> -> memref<1000000x64xf32, #tpu.memory_space<hbm>>
      tpu.enqueue_indirect_dma source(%dma_start3A_368 : memref<1000000x64xf32, #tpu.memory_space<hbm>>) target(%dma_start3A_363 : memref<128x64xf32, #tpu.memory_space<vmem>>) offsets(%dma_start3A_365 : memref<128xi32, #tpu.memory_space<vmem>>) semaphore(%arg11 : memref<!tpu.dma_semaphore, #tpu.memory_space<semaphore_mem>>)
      %dma_start3A_369 = arith.constant 384 : i32
      %dma_start3A_370 = arith.constant 0 : i32
      %dma_start3A_371 = tpu.memref_slice %arg9[%dma_start3A_369, %dma_start3A_370] : memref<640x64xf32, #tpu.memory_space<vmem>> -> memref<128x64xf32, #tpu.memory_space<vmem>>
      %dma_start3A_372 = arith.constant 384 : i32
      %dma_start3A_373 = tpu.memref_slice %arg7[%dma_start3A_372] : memref<640xi32, #tpu.memory_space<vmem>> -> memref<128xi32, #tpu.memory_space<vmem>>
      %dma_start3A_374 = arith.constant 0 : i32
      %dma_start3A_375 = arith.constant 0 : i32
      %dma_start3A_376 = tpu.memref_slice %arg4[%dma_start3A_374, %dma_start3A_375] : memref<1000000x64xf32, #tpu.memory_space<hbm>> -> memref<1000000x64xf32, #tpu.memory_space<hbm>>
      tpu.enqueue_indirect_dma source(%dma_start3A_376 : memref<1000000x64xf32, #tpu.memory_space<hbm>>) target(%dma_start3A_371 : memref<128x64xf32, #tpu.memory_space<vmem>>) offsets(%dma_start3A_373 : memref<128xi32, #tpu.memory_space<vmem>>) semaphore(%arg11 : memref<!tpu.dma_semaphore, #tpu.memory_space<semaphore_mem>>)
      %dma_start3A_377 = arith.constant 512 : i32
      %dma_start3A_378 = arith.constant 0 : i32
      %dma_start3A_379 = tpu.memref_slice %arg9[%dma_start3A_377, %dma_start3A_378] : memref<640x64xf32, #tpu.memory_space<vmem>> -> memref<128x64xf32, #tpu.memory_space<vmem>>
      %dma_start3A_380 = arith.constant 512 : i32
      %dma_start3A_381 = tpu.memref_slice %arg7[%dma_start3A_380] : memref<640xi32, #tpu.memory_space<vmem>> -> memref<128xi32, #tpu.memory_space<vmem>>
      %dma_start3A_382 = arith.constant 0 : i32
      %dma_start3A_383 = arith.constant 0 : i32
      %dma_start3A_384 = tpu.memref_slice %arg4[%dma_start3A_382, %dma_start3A_383] : memref<1000000x64xf32, #tpu.memory_space<hbm>> -> memref<1000000x64xf32, #tpu.memory_space<hbm>>
      tpu.enqueue_indirect_dma source(%dma_start3A_384 : memref<1000000x64xf32, #tpu.memory_space<hbm>>) target(%dma_start3A_379 : memref<128x64xf32, #tpu.memory_space<vmem>>) offsets(%dma_start3A_381 : memref<128xi32, #tpu.memory_space<vmem>>) semaphore(%arg11 : memref<!tpu.dma_semaphore, #tpu.memory_space<semaphore_mem>>)
      %add3A_385 = arith.constant 1 : i32
      %add3A_386 = arith.addi %add3A_308, %add3A_385 : i32
      %dma_wait3A_387 = arith.constant 0 : i32
      %dma_wait3A_388 = arith.constant 0 : i32
      %dma_wait3A_389 = tpu.memref_slice %arg4[%dma_wait3A_387, %dma_wait3A_388] : memref<1000000x64xf32, #tpu.memory_space<hbm>> -> memref<640x64xf32, #tpu.memory_space<hbm>>
      %dma_wait3A_390 = arith.constant 0 : i32
      %dma_wait3A_391 = arith.constant 0 : i32
      %dma_wait3A_392 = tpu.memref_slice %arg4[%dma_wait3A_390, %dma_wait3A_391] : memref<1000000x64xf32, #tpu.memory_space<hbm>> -> memref<640x64xf32, #tpu.memory_space<hbm>>
      tpu.wait_dma2 semaphore(%arg12 : memref<!tpu.dma_semaphore, #tpu.memory_space<semaphore_mem>>) src(%dma_wait3A_392 : memref<640x64xf32, #tpu.memory_space<hbm>>) dst(%arg10 : memref<640x64xf32, #tpu.memory_space<vmem>>)
      %add3A_393 = arith.constant 2 : i32
      %add3A_394 = arith.addi %add3A_386, %add3A_393 : i32
      %mul3A_395 = arith.constant 40 : i32
      %mul3A_396 = arith.muli %add3A, %mul3A_395 : i32
      %add3A_397 = arith.addi %mul3A_396, %add3A_394 : i32
      %mul3A_398 = arith.constant 640 : i32
      %mul3A_399 = arith.muli %add3A_397, %mul3A_398 : i32
      %dma_start3A_400 = tpu.memref_slice %arg3[%mul3A_399] : memref<819200xi32, #tpu.memory_space<hbm>> -> memref<640xi32, #tpu.memory_space<hbm>>
      %dma_start3A_401 = tpu.memref_slice %arg3[%mul3A_399] : memref<819200xi32, #tpu.memory_space<hbm>> -> memref<640xi32, #tpu.memory_space<hbm>>
      tpu.enqueue_dma source(%dma_start3A_401 : memref<640xi32, #tpu.memory_space<hbm>>) target(%arg8 : memref<640xi32, #tpu.memory_space<vmem>>) target_semaphore(%arg16 : memref<!tpu.dma_semaphore, #tpu.memory_space<semaphore_mem>>)
      %mul3A_402 = arith.constant 40 : i32
      %mul3A_403 = arith.muli %add3A, %mul3A_402 : i32
      %add3A_404 = arith.addi %mul3A_403, %add3A_386 : i32
      %mul3A_405 = arith.constant 640 : i32
      %mul3A_406 = arith.muli %add3A_404, %mul3A_405 : i32
      %dma_start3A_407 = arith.constant 0 : i32
      %dma_start3A_408 = tpu.memref_slice %arg6[%mul3A_406, %dma_start3A_407] : memref<819200x128xf32, #tpu.memory_space<hbm>> -> memref<640x64xf32, #tpu.memory_space<hbm>>
      %dma_start3A_409 = arith.constant 0 : i32
      %dma_start3A_410 = tpu.memref_slice %arg6[%mul3A_406, %dma_start3A_409] : memref<819200x128xf32, #tpu.memory_space<hbm>> -> memref<640x64xf32, #tpu.memory_space<hbm>>
      tpu.enqueue_dma source(%arg10 : memref<640x64xf32, #tpu.memory_space<vmem>>) target(%dma_start3A_410 : memref<640x64xf32, #tpu.memory_space<hbm>>) target_semaphore(%arg14 : memref<!tpu.dma_semaphore, #tpu.memory_space<semaphore_mem>>)
      %dma_wait3A_411 = arith.constant 0 : i32
      %dma_wait3A_412 = arith.constant 0 : i32
      %dma_wait3A_413 = tpu.memref_slice %arg6[%dma_wait3A_411, %dma_wait3A_412] : memref<819200x128xf32, #tpu.memory_space<hbm>> -> memref<640x64xf32, #tpu.memory_space<hbm>>
      %dma_wait3A_414 = arith.constant 0 : i32
      %dma_wait3A_415 = arith.constant 0 : i32
      %dma_wait3A_416 = tpu.memref_slice %arg6[%dma_wait3A_414, %dma_wait3A_415] : memref<819200x128xf32, #tpu.memory_space<hbm>> -> memref<640x64xf32, #tpu.memory_space<hbm>>
      tpu.wait_dma2 semaphore(%arg14 : memref<!tpu.dma_semaphore, #tpu.memory_space<semaphore_mem>>) src(%arg10 : memref<640x64xf32, #tpu.memory_space<vmem>>) dst(%dma_wait3A_416 : memref<640x64xf32, #tpu.memory_space<hbm>>)
      %dma_wait3A_417 = arith.constant 0 : i32
      %dma_wait3A_418 = tpu.memref_slice %arg3[%dma_wait3A_417] : memref<819200xi32, #tpu.memory_space<hbm>> -> memref<640xi32, #tpu.memory_space<hbm>>
      %dma_wait3A_419 = arith.constant 0 : i32
      %dma_wait3A_420 = tpu.memref_slice %arg3[%dma_wait3A_419] : memref<819200xi32, #tpu.memory_space<hbm>> -> memref<640xi32, #tpu.memory_space<hbm>>
      tpu.wait_dma2 semaphore(%arg16 : memref<!tpu.dma_semaphore, #tpu.memory_space<semaphore_mem>>) src(%dma_wait3A_420 : memref<640xi32, #tpu.memory_space<hbm>>) dst(%arg8 : memref<640xi32, #tpu.memory_space<vmem>>)
      %dma_start3A_421 = arith.constant 0 : i32
      %dma_start3A_422 = arith.constant 0 : i32
      %dma_start3A_423 = tpu.memref_slice %arg10[%dma_start3A_421, %dma_start3A_422] : memref<640x64xf32, #tpu.memory_space<vmem>> -> memref<128x64xf32, #tpu.memory_space<vmem>>
      %dma_start3A_424 = arith.constant 0 : i32
      %dma_start3A_425 = tpu.memref_slice %arg8[%dma_start3A_424] : memref<640xi32, #tpu.memory_space<vmem>> -> memref<128xi32, #tpu.memory_space<vmem>>
      %dma_start3A_426 = arith.constant 0 : i32
      %dma_start3A_427 = arith.constant 0 : i32
      %dma_start3A_428 = tpu.memref_slice %arg4[%dma_start3A_426, %dma_start3A_427] : memref<1000000x64xf32, #tpu.memory_space<hbm>> -> memref<1000000x64xf32, #tpu.memory_space<hbm>>
      tpu.enqueue_indirect_dma source(%dma_start3A_428 : memref<1000000x64xf32, #tpu.memory_space<hbm>>) target(%dma_start3A_423 : memref<128x64xf32, #tpu.memory_space<vmem>>) offsets(%dma_start3A_425 : memref<128xi32, #tpu.memory_space<vmem>>) semaphore(%arg12 : memref<!tpu.dma_semaphore, #tpu.memory_space<semaphore_mem>>)
      %dma_start3A_429 = arith.constant 128 : i32
      %dma_start3A_430 = arith.constant 0 : i32
      %dma_start3A_431 = tpu.memref_slice %arg10[%dma_start3A_429, %dma_start3A_430] : memref<640x64xf32, #tpu.memory_space<vmem>> -> memref<128x64xf32, #tpu.memory_space<vmem>>
      %dma_start3A_432 = arith.constant 128 : i32
      %dma_start3A_433 = tpu.memref_slice %arg8[%dma_start3A_432] : memref<640xi32, #tpu.memory_space<vmem>> -> memref<128xi32, #tpu.memory_space<vmem>>
      %dma_start3A_434 = arith.constant 0 : i32
      %dma_start3A_435 = arith.constant 0 : i32
      %dma_start3A_436 = tpu.memref_slice %arg4[%dma_start3A_434, %dma_start3A_435] : memref<1000000x64xf32, #tpu.memory_space<hbm>> -> memref<1000000x64xf32, #tpu.memory_space<hbm>>
      tpu.enqueue_indirect_dma source(%dma_start3A_436 : memref<1000000x64xf32, #tpu.memory_space<hbm>>) target(%dma_start3A_431 : memref<128x64xf32, #tpu.memory_space<vmem>>) offsets(%dma_start3A_433 : memref<128xi32, #tpu.memory_space<vmem>>) semaphore(%arg12 : memref<!tpu.dma_semaphore, #tpu.memory_space<semaphore_mem>>)
      %dma_start3A_437 = arith.constant 256 : i32
      %dma_start3A_438 = arith.constant 0 : i32
      %dma_start3A_439 = tpu.memref_slice %arg10[%dma_start3A_437, %dma_start3A_438] : memref<640x64xf32, #tpu.memory_space<vmem>> -> memref<128x64xf32, #tpu.memory_space<vmem>>
      %dma_start3A_440 = arith.constant 256 : i32
      %dma_start3A_441 = tpu.memref_slice %arg8[%dma_start3A_440] : memref<640xi32, #tpu.memory_space<vmem>> -> memref<128xi32, #tpu.memory_space<vmem>>
      %dma_start3A_442 = arith.constant 0 : i32
      %dma_start3A_443 = arith.constant 0 : i32
      %dma_start3A_444 = tpu.memref_slice %arg4[%dma_start3A_442, %dma_start3A_443] : memref<1000000x64xf32, #tpu.memory_space<hbm>> -> memref<1000000x64xf32, #tpu.memory_space<hbm>>
      tpu.enqueue_indirect_dma source(%dma_start3A_444 : memref<1000000x64xf32, #tpu.memory_space<hbm>>) target(%dma_start3A_439 : memref<128x64xf32, #tpu.memory_space<vmem>>) offsets(%dma_start3A_441 : memref<128xi32, #tpu.memory_space<vmem>>) semaphore(%arg12 : memref<!tpu.dma_semaphore, #tpu.memory_space<semaphore_mem>>)
      %dma_start3A_445 = arith.constant 384 : i32
      %dma_start3A_446 = arith.constant 0 : i32
      %dma_start3A_447 = tpu.memref_slice %arg10[%dma_start3A_445, %dma_start3A_446] : memref<640x64xf32, #tpu.memory_space<vmem>> -> memref<128x64xf32, #tpu.memory_space<vmem>>
      %dma_start3A_448 = arith.constant 384 : i32
      %dma_start3A_449 = tpu.memref_slice %arg8[%dma_start3A_448] : memref<640xi32, #tpu.memory_space<vmem>> -> memref<128xi32, #tpu.memory_space<vmem>>
      %dma_start3A_450 = arith.constant 0 : i32
      %dma_start3A_451 = arith.constant 0 : i32
      %dma_start3A_452 = tpu.memref_slice %arg4[%dma_start3A_450, %dma_start3A_451] : memref<1000000x64xf32, #tpu.memory_space<hbm>> -> memref<1000000x64xf32, #tpu.memory_space<hbm>>
      tpu.enqueue_indirect_dma source(%dma_start3A_452 : memref<1000000x64xf32, #tpu.memory_space<hbm>>) target(%dma_start3A_447 : memref<128x64xf32, #tpu.memory_space<vmem>>) offsets(%dma_start3A_449 : memref<128xi32, #tpu.memory_space<vmem>>) semaphore(%arg12 : memref<!tpu.dma_semaphore, #tpu.memory_space<semaphore_mem>>)
      %dma_start3A_453 = arith.constant 512 : i32
      %dma_start3A_454 = arith.constant 0 : i32
      %dma_start3A_455 = tpu.memref_slice %arg10[%dma_start3A_453, %dma_start3A_454] : memref<640x64xf32, #tpu.memory_space<vmem>> -> memref<128x64xf32, #tpu.memory_space<vmem>>
      %dma_start3A_456 = arith.constant 512 : i32
      %dma_start3A_457 = tpu.memref_slice %arg8[%dma_start3A_456] : memref<640xi32, #tpu.memory_space<vmem>> -> memref<128xi32, #tpu.memory_space<vmem>>
      %dma_start3A_458 = arith.constant 0 : i32
      %dma_start3A_459 = arith.constant 0 : i32
      %dma_start3A_460 = tpu.memref_slice %arg4[%dma_start3A_458, %dma_start3A_459] : memref<1000000x64xf32, #tpu.memory_space<hbm>> -> memref<1000000x64xf32, #tpu.memory_space<hbm>>
      tpu.enqueue_indirect_dma source(%dma_start3A_460 : memref<1000000x64xf32, #tpu.memory_space<hbm>>) target(%dma_start3A_455 : memref<128x64xf32, #tpu.memory_space<vmem>>) offsets(%dma_start3A_457 : memref<128xi32, #tpu.memory_space<vmem>>) semaphore(%arg12 : memref<!tpu.dma_semaphore, #tpu.memory_space<semaphore_mem>>)
    }
    %scan3A_259 = arith.constant 19 : i32
    %dma_wait3A_260 = arith.constant 0 : i32
    %dma_wait3A_261 = arith.constant 0 : i32
    %dma_wait3A_262 = tpu.memref_slice %arg4[%dma_wait3A_260, %dma_wait3A_261] : memref<1000000x64xf32, #tpu.memory_space<hbm>> -> memref<640x64xf32, #tpu.memory_space<hbm>>
    %dma_wait3A_263 = arith.constant 0 : i32
    %dma_wait3A_264 = arith.constant 0 : i32
    %dma_wait3A_265 = tpu.memref_slice %arg4[%dma_wait3A_263, %dma_wait3A_264] : memref<1000000x64xf32, #tpu.memory_space<hbm>> -> memref<640x64xf32, #tpu.memory_space<hbm>>
    tpu.wait_dma2 semaphore(%arg11 : memref<!tpu.dma_semaphore, #tpu.memory_space<semaphore_mem>>) src(%dma_wait3A_265 : memref<640x64xf32, #tpu.memory_space<hbm>>) dst(%arg9 : memref<640x64xf32, #tpu.memory_space<vmem>>)
    %mul3A_266 = arith.constant 40 : i32
    %mul3A_267 = arith.muli %add3A, %mul3A_266 : i32
    %add3A_268 = arith.constant 38 : i32
    %add3A_269 = arith.addi %mul3A_267, %add3A_268 : i32
    %mul3A_270 = arith.constant 640 : i32
    %mul3A_271 = arith.muli %add3A_269, %mul3A_270 : i32
    %dma_start3A_272 = arith.constant 0 : i32
    %dma_start3A_273 = tpu.memref_slice %arg6[%mul3A_271, %dma_start3A_272] : memref<819200x128xf32, #tpu.memory_space<hbm>> -> memref<640x64xf32, #tpu.memory_space<hbm>>
    %dma_start3A_274 = arith.constant 0 : i32
    %dma_start3A_275 = tpu.memref_slice %arg6[%mul3A_271, %dma_start3A_274] : memref<819200x128xf32, #tpu.memory_space<hbm>> -> memref<640x64xf32, #tpu.memory_space<hbm>>
    tpu.enqueue_dma source(%arg9 : memref<640x64xf32, #tpu.memory_space<vmem>>) target(%dma_start3A_275 : memref<640x64xf32, #tpu.memory_space<hbm>>) target_semaphore(%arg13 : memref<!tpu.dma_semaphore, #tpu.memory_space<semaphore_mem>>)
    %dma_wait3A_276 = arith.constant 0 : i32
    %dma_wait3A_277 = arith.constant 0 : i32
    %dma_wait3A_278 = tpu.memref_slice %arg6[%dma_wait3A_276, %dma_wait3A_277] : memref<819200x128xf32, #tpu.memory_space<hbm>> -> memref<640x64xf32, #tpu.memory_space<hbm>>
    %dma_wait3A_279 = arith.constant 0 : i32
    %dma_wait3A_280 = arith.constant 0 : i32
    %dma_wait3A_281 = tpu.memref_slice %arg6[%dma_wait3A_279, %dma_wait3A_280] : memref<819200x128xf32, #tpu.memory_space<hbm>> -> memref<640x64xf32, #tpu.memory_space<hbm>>
    tpu.wait_dma2 semaphore(%arg13 : memref<!tpu.dma_semaphore, #tpu.memory_space<semaphore_mem>>) src(%arg9 : memref<640x64xf32, #tpu.memory_space<vmem>>) dst(%dma_wait3A_281 : memref<640x64xf32, #tpu.memory_space<hbm>>)
    %dma_wait3A_282 = arith.constant 0 : i32
    %dma_wait3A_283 = arith.constant 0 : i32
    %dma_wait3A_284 = tpu.memref_slice %arg4[%dma_wait3A_282, %dma_wait3A_283] : memref<1000000x64xf32, #tpu.memory_space<hbm>> -> memref<640x64xf32, #tpu.memory_space<hbm>>
    %dma_wait3A_285 = arith.constant 0 : i32
    %dma_wait3A_286 = arith.constant 0 : i32
    %dma_wait3A_287 = tpu.memref_slice %arg4[%dma_wait3A_285, %dma_wait3A_286] : memref<1000000x64xf32, #tpu.memory_space<hbm>> -> memref<640x64xf32, #tpu.memory_space<hbm>>
    tpu.wait_dma2 semaphore(%arg12 : memref<!tpu.dma_semaphore, #tpu.memory_space<semaphore_mem>>) src(%dma_wait3A_287 : memref<640x64xf32, #tpu.memory_space<hbm>>) dst(%arg10 : memref<640x64xf32, #tpu.memory_space<vmem>>)
    %mul3A_288 = arith.constant 40 : i32
    %mul3A_289 = arith.muli %add3A, %mul3A_288 : i32
    %add3A_290 = arith.constant 39 : i32
    %add3A_291 = arith.addi %mul3A_289, %add3A_290 : i32
    %mul3A_292 = arith.constant 640 : i32
    %mul3A_293 = arith.muli %add3A_291, %mul3A_292 : i32
    %dma_start3A_294 = arith.constant 0 : i32
    %dma_start3A_295 = tpu.memref_slice %arg6[%mul3A_293, %dma_start3A_294] : memref<819200x128xf32, #tpu.memory_space<hbm>> -> memref<640x64xf32, #tpu.memory_space<hbm>>
    %dma_start3A_296 = arith.constant 0 : i32
    %dma_start3A_297 = tpu.memref_slice %arg6[%mul3A_293, %dma_start3A_296] : memref<819200x128xf32, #tpu.memory_space<hbm>> -> memref<640x64xf32, #tpu.memory_space<hbm>>
    tpu.enqueue_dma source(%arg10 : memref<640x64xf32, #tpu.memory_space<vmem>>) target(%dma_start3A_297 : memref<640x64xf32, #tpu.memory_space<hbm>>) target_semaphore(%arg14 : memref<!tpu.dma_semaphore, #tpu.memory_space<semaphore_mem>>)
    %dma_wait3A_298 = arith.constant 0 : i32
    %dma_wait3A_299 = arith.constant 0 : i32
    %dma_wait3A_300 = tpu.memref_slice %arg6[%dma_wait3A_298, %dma_wait3A_299] : memref<819200x128xf32, #tpu.memory_space<hbm>> -> memref<640x64xf32, #tpu.memory_space<hbm>>
    %dma_wait3A_301 = arith.constant 0 : i32
    %dma_wait3A_302 = arith.constant 0 : i32
    %dma_wait3A_303 = tpu.memref_slice %arg6[%dma_wait3A_301, %dma_wait3A_302] : memref<819200x128xf32, #tpu.memory_space<hbm>> -> memref<640x64xf32, #tpu.memory_space<hbm>>
    tpu.wait_dma2 semaphore(%arg14 : memref<!tpu.dma_semaphore, #tpu.memory_space<semaphore_mem>>) src(%arg10 : memref<640x64xf32, #tpu.memory_space<vmem>>) dst(%dma_wait3A_303 : memref<640x64xf32, #tpu.memory_space<hbm>>)
    return
  }
}

</mosaic_0001>

<sc_bundles>
// kernel: _two_gathers.3.cloned.1.call-start
scs
__scs_entry_jumppad:
0x0: {  	(pc) =	sbr.rel $0x88, $3  }
0x1: {  	(tag) =	ssettag $0x0;
	lr =	simm.s32 $0x1  }
0x2: {  	[smem:$0x3F9E] =	sst lr;
	_ =	strace $0xD0000000  }
0x3: {  	_ = 	snop  }
0x4: {  	_ = 	snop  }
0x5: {  	_ = 	snop  }
0x6: {  	_ = 	snop  }
0x7: {  	_ = 	snop  }
__scs_overlays_trampoline_lowered:
0x8: {  	[smem:$0x3FAD] =	sst s0  }
0x9: {  	[smem:$0x3FAE] =	sst s1  }
0xa: {  	[smem:$0x3FAF] =	sst s2  }
0xb: {  	[smem:$0x3FB0] =	sst s3  }
0xc: {  	[smem:$0x3FB1] =	sst s4  }
0xd: {  	[smem:$0x3FB2] =	sst s5  }
0xe: {  	[smem:$0x3FB3] =	sst s6  }
0xf: {  	[smem:$0x3FB4] =	sst s7  }
0x10: {  	[smem:$0x3FB5] =	sst s8  }
0x11: {  	[smem:$0x3FB6] =	sst s9;
	s0 =	simm.s32 @!p0 $0x0  }
0x12: {  	s1 =	sld [smem:$0x3F9C];
	s0 =	simm.s32 @p0 $0x1  }
0x13: {  	[smem:$0x3FB7] =	sst s0;
	s0 =	simm.s32 @!p1 $0x0  }
0x14: {  	s2 =	sld [smem:$0x3F9B];
	s0 =	simm.s32 @p1 $0x1  }
0x15: {  	[smem:$0x3FB8] =	sst s0;
	s0 =	simm.s32 @!p2 $0x0  }
0x16: {  	s3 =	sld [smem:$0x3FDB];
	s0 =	simm.s32 @p2 $0x1  }
0x17: {  	s4 =	simm.s32 $0x1BF5;
	[smem:$0x3FBA] =	sst s0  }
0x18: {  	s0 =	sld [smem:$0x3F9D];
	_ =	swait.ge [sflag:s4], $0x0  }
0x19: {  	s7 =	sld [smem:$0x3F9E]  }
0x1a: {  	s8 =	sadd.s32 $0xFFFFE003, lr  }
0x1b: {  	s9 =	sadd.s32 $0xFFFFFEF7, lr;
	s5 =	simm.s32 $0xFFFFFFFF;
	p2 =	slt.u32 s8, $0xFFFFF086  }
0x1c: {  	p1 =	slt.u32 s9, $0xF7A;
	s5 =	simm.s32 @!p2 $0x0  }
0x1d: {  	s5 =	simm.s32 @p1 $0x1;
	p0 =	seq.s32 s7, s2  }
0x1e: {  	s7 =	smul.u32 @!p0 $0xF7A, s2;
	p2 =	seq.s32 @!p0 s5, $0x0  }
0x1f: {  	s9 =	smul.u32 $0xF7A, s1;
	s8 =	simm.s32 @!p0 $0x1BF5;
	p2 =	por !p2, p0  }
0x20: {  	[sflag:s8] =	ssyncset.s32 @!p0 $0xFFFFF086;
	s6 =	sadd.s32 @!p0 s3, s7;
	s7 =	simm.s32 @!p0 $0x108  }
0x21: {  	s3 =	sadd.s32 s3, s9;
	s6 =	sadd.s32 @!p0 $0x88, s6;
	s7 =	simm.s32 @p2 $0x1082  }
0x22: {  	[simem:s7], [sflag:s8] =	dma.local @!p0 [hbm:s6], $0xF7A  }
0x23: {  	s9 =	sor.u32 $0xD0000000, s2;
	s6 =	simm.s32 $0x108;
	_ =	swait.ge @!p0 [sflag:s8], $0x0  }
0x24: {  	s3 =	sadd.s32 $0x88, s3;
	s6 =	simm.s32 @!p1 $0x1082;
	[sflag:s4] =	ssyncset.s32 $0xFFFFF086  }
0x25: {  	[simem:s6], [sflag:s4] =	dma.local [hbm:s3], $0xF7A  }
0x26: {  	[smem:$0x3F9E] =	sst s1;
	(tag) =	ssettag s2;
	_ =	strace s9  }
0x27: {  	s1 =	sld [smem:$0x3FAE]  }
0x28: {  	s2 =	sld [smem:$0x3FAF]  }
0x29: {  	s4 =	sld [smem:$0x3FB1]  }
0x2a: {  	p0 =	seq.s32 s5, $0x0;
	s5 =	sld [smem:$0x3FB2]  }
0x2b: {  	s6 =	sld [smem:$0x3FB3]  }
0x2c: {  	s7 =	sld [smem:$0x3FB4]  }
0x2d: {  	s3 =	simm.s32 $0x108;
	s8 =	sld [smem:$0x3FB5]  }
0x2e: {  	s3 =	simm.s32 @!p0 $0x1082;
	s9 =	sld [smem:$0x3FB6]  }
0x2f: {  	lr =	sadd.s32 s0, s3;
	s0 =	sld [smem:$0x3FAD]  }
0x30: {  	s3 =	sld [smem:$0x3FB0]  }
0x31: {  	[smem:$0x3FB9] =	sst s10  }
0x32: {  	s10 =	sld [smem:$0x3FB7];
	_ =	sdelay $0x3  }
0x33: {  	p0 =	seq.s32 s10, $0x1;
	s10 =	sld [smem:$0x3FB9];
	_ =	sdelay $0x3  }
0x34: {  	[smem:$0x3FB9] =	sst s10  }
0x35: {  	s10 =	sld [smem:$0x3FB8];
	_ =	sdelay $0x3  }
0x36: {  	p1 =	seq.s32 s10, $0x1;
	s10 =	sld [smem:$0x3FB9];
	_ =	sdelay $0x3  }
0x37: {  	[smem:$0x3FB9] =	sst s10  }
0x38: {  	s10 =	sld [smem:$0x3FBA]  }
0x39: {  	_ = 	snop;
	(pc) =	sbr.ind lr, $3  }
0x3a: {  	_ = 	snop  }
0x3b: {  	_ = 	snop  }
0x3c: {  	p2 =	seq.s32 s10, $0x1;
	s10 =	sld [smem:$0x3FB9]  }
0x3d: {  	_ =	shalt  }
0x3e: {  	_ =	shalt  }
0x3f: {  	_ =	shalt  }
0x40: {  	_ =	shalt  }
0x41: {  	_ =	shalt  }
0x42: {  	_ =	shalt  }
0x43: {  	_ =	shalt  }
0x44: {  	_ =	shalt  }
0x45: {  	_ =	shalt  }
0x46: {  	_ =	shalt  }
0x47: {  	_ =	shalt  }
0x48: {  	_ =	shalt  }
0x49: {  	_ =	shalt  }
0x4a: {  	_ =	shalt  }
0x4b: {  	_ =	shalt  }
0x4c: {  	_ =	shalt  }
0x4d: {  	_ =	shalt  }
0x4e: {  	_ =	shalt  }
0x4f: {  	_ =	shalt  }
0x50: {  	_ =	shalt  }
0x51: {  	_ =	shalt  }
0x52: {  	_ =	shalt  }
0x53: {  	_ =	shalt  }
0x54: {  	_ =	shalt  }
0x55: {  	_ =	shalt  }
0x56: {  	_ =	shalt  }
0x57: {  	_ =	shalt  }
0x58: {  	_ =	shalt  }
0x59: {  	_ =	shalt  }
0x5a: {  	_ =	shalt  }
0x5b: {  	_ =	shalt  }
0x5c: {  	_ =	shalt  }
0x5d: {  	_ =	shalt  }
0x5e: {  	_ =	shalt  }
0x5f: {  	_ =	shalt  }
0x60: {  	_ =	shalt  }
0x61: {  	_ =	shalt  }
0x62: {  	_ =	shalt  }
0x63: {  	_ =	shalt  }
0x64: {  	_ =	shalt  }
0x65: {  	_ =	shalt  }
0x66: {  	_ =	shalt  }
0x67: {  	_ =	shalt  }
0x68: {  	_ =	shalt  }
0x69: {  	_ =	shalt  }
0x6a: {  	_ =	shalt  }
0x6b: {  	_ =	shalt  }
0x6c: {  	_ =	shalt  }
0x6d: {  	_ =	shalt  }
0x6e: {  	_ =	shalt  }
0x6f: {  	_ =	shalt  }
0x70: {  	_ =	shalt  }
0x71: {  	_ =	shalt  }
0x72: {  	_ =	shalt  }
0x73: {  	_ =	shalt  }
0x74: {  	_ =	shalt  }
0x75: {  	_ =	shalt  }
0x76: {  	_ =	shalt  }
0x77: {  	_ =	shalt  }
0x78: {  	_ =	shalt  }
0x79: {  	_ =	shalt  }
0x7a: {  	_ =	shalt  }
0x7b: {  	_ =	shalt  }
0x7c: {  	_ =	shalt  }
0x7d: {  	_ =	shalt  }
0x7e: {  	_ =	shalt  }
0x7f: {  	_ =	shalt  }
0x80: {  	_ =	shalt  }
0x81: {  	_ =	shalt  }
0x82: {  	_ =	shalt  }
0x83: {  	_ =	shalt  }
0x84: {  	_ =	shalt  }
0x85: {  	_ =	shalt  }
0x86: {  	_ =	shalt  }
0x87: {  	_ =	shalt  }
.Lfunc_end0:
.L_simem_size_0:
called_computation_lowered:
.L_overlay_start_0:
0x88: {  	s2 =	sld [smem:$0x3FD9]  }
0x89: {  	s3 =	sld [smem:$0x3FFE];
	_ =	sdelay $0x1  }
0x8a: {  	s1 =	srdreg.scid  }
0x8b: {  	s0 =	sand.u32 $0x1, s1  }
0x8c: {  	s14 =	sshll.u32 s0, $0xA;
	s2 =	sadd.s32 s3, s2  }
0x8d: {  	s2 =	sadd.s32 s2, s14  }
0x8e: {  	[smem:$0x3FC5] =	sst s2  }
0x8f: {  	_ = 	snop  }
0x90: {  	s2 =	sld [smem:$0x3FD0];
	_ =	sdelay $0x1  }
0x91: {  	s15 =	sld [smem:$0x3FC9]  }
0x92: {  	s5 =	simm.s32 $0xA;
	s6 =	simm.s32 $0x10;
	s4 =	sld [smem:$0x3FC8]  }
0x93: {  	[smem:s6], [sflag:s5] =	dma.local [hbm:s2], $0x1  }
0x94: {  	_ =	swait.eq [sflag:s5], $0x1  }
0x95: {  	[sflag:s5] =	ssyncset.done $0x0  }
0x96: {  	s16 =	sld [smem:$0x10];
	[sflag:s5] =	ssyncadd.s32 $0xFFFFFFFF  }
0x97: {  	s17 =	sld [smem:$0x11];
	(tm) =	ssettm $0x1  }
0x98: {  	s18 =	sld [smem:$0x3FFB];
	_ =	sdelay $0x3  }
0x99: {  	_ =	strace s18  }
0x9a: {  	s6 =	sld [smem:$0x3FFC];
	_ =	sdelay $0x3  }
0x9b: {  	_ =	strace s6  }
0x9c: {  	s6 =	sld [smem:$0x3FFD];
	_ =	sdelay $0x3  }
0x9d: {  	_ =	strace s6  }
0x9e: {  	_ =	strace $0x8FFFFFFF  }
0x9f: {  	s19 =	sld [smem:$0x3FDB];
	_ =	sdelay $0x1  }
0xa0: {  	s7 =	simm.s32 $_scs_section_size  }
0xa1: {  	s8 =	simm.s32 $_size__tile_overlayer_lowered;
	s9 =	simm.s32 $_tile_overlayer_lowered  }
0xa2: {  	s22 =	simm.s32 $0x1BFF;
	s21 =	sshll.u32 s9, $0x1;
	s6 =	sadd.s32 s7, s19  }
0xa3: {  	s10 =	simm.s32 $0x0;
	s20 =	sshll.u32 s8, $0x1;
	s8 =	sadd.s32 s21, s6  }
0xa4: {  	[timem:s10], [sflag:s22] =	dma.local [hbm:s8], s20  }
0xa5: {  	_ =	swait.ge [sflag:s22], s20  }
0xa6: {  	s7 =	ssub.s32 $0x0, s20;
	[sflag:s22] =	ssyncset.done $0x0  }
0xa7: {  	[sflag:s22] =	ssyncadd.s32 s7;
	_ =	sdelay $0x1  }
0xa8: {  	s23 =	simm.s32 $0x1B8B  }
0xa9: {  	_ =	swait.ge [sflag:s23], $0x1  }
0xaa: {  	[sflag:s23] =	ssyncset.done $0x0  }
0xab: {  	s25 =	simm.s32 $0x1B8E;
	s24 =	sld [smem:$0x3FFE];
	[sflag:s23] =	ssyncadd.s32 $0xFFFFFFFF  }
0xac: {  	s26 =	simm.s32 $execute0_lowered;
	[smem:$0x3FD2] =	sst s25  }
0xad: {  	s8 =	sshll.u32 s26, $0x1;
	_ =	strace $0x80000046;
	[dreg:$0x1] =	wrdreg $0xFFFFFFFF  }
0xae: {  	s28 =	simm.s32 $_size_execute0_lowered;
	s6 =	sadd.s32 s6, s8;
	[dreg:$0x0] =	wrdreg $0x0  }
0xaf: {  	s8 =	sshll.u32 s28, $0x1;
	[dreg:$0x2] =	wrdreg s6  }
0xb0: {  	[dreg:$0x3] =	wrdreg s8  }
0xb1: {  	[dreg:$0x4] =	wrdreg $0xC0  }
0xb2: {  	_ =	task [dreg:s10], $0x5FFFF  }
0xb3: {  	[dreg:$0x1] =	wrdreg $0xFFFFFFFF  }
0xb4: {  	[dreg:$0x0] =	wrdreg $0x60  }
0xb5: {  	[dreg:$0x2] =	wrdreg s15  }
0xb6: {  	[dreg:$0x3] =	wrdreg s4  }
0xb7: {  	[dreg:$0x4] =	wrdreg s24  }
0xb8: {  	[dreg:$0x5] =	wrdreg s16  }
0xb9: {  	[dreg:$0x6] =	wrdreg s17  }
0xba: {  	[dreg:$0x7] =	wrdreg $0x9  }
0xbb: {  	_ =	task.clear_ibuf [dreg:s10], $0x8FFFF;
	_ =	strace $0x90000046  }
0xbc: {  	s29 =	simm.s32 $0x9;
	_ =	strace $0x80000048  }
0xbd: {  	_ =	swait.ge [sflag:s29], $0x1  }
0xbe: {  	[sflag:s29] =	ssyncadd.s32 $0xFFFFFFFF  }
0xbf: {  	_ =	strace $0x90000048  }
0xc0: {  	_ =	sfence  }
0xc1: {  	s30 =	sld [smem:$0x0];
	_ =	sdelay $0x2  }
0xc2: {  	s31 =	sshll.u32 s1, $0xD;
	s1 =	sshrl.u32 s1, $0x2  }
0xc3: {  	s3 =	sand.u32 $0x4000, s31;
	s1 =	sadd.s32 s1, s30  }
0xc4: {  	s0 =	sor.u32 s3, s0;
	s1 =	sshll.u32 s1, $0x11  }
0xc5: {  	s0 =	sor.u32 s1, s0  }
0xc6: {  	s0 =	sadd.s32 $0x8F2B, s0  }
0xc7: {  	[sflag:s0] =	ssyncadd.remote.s32 $0x1  }
0xc8: {  	_ =	sfence.sel $0xFFFF  }
0xc9: {  	[dreg:$0x0] =	wrdreg $0xFFFFFFFF;
	(pc) =	sbr.abs _section_cstart, $3  }
0xca: {  	[dreg:$0x1] =	wrdreg $0xFFFFFFFF  }
0xcb: {  	_ =	task.clear_ibuf [dreg:s10], $0x2FFFF;
	_ =	strace $0x9FFFFFFF  }
0xcc: {  	(tm) =	ssettm $0x7FFFFFFF  }
0xcd: {  	_ =	shalt  }
tec
execute0_lowered:
.L_overlay_start_1:
0x0: {  	(tag) =	ssettag $0x1  }
0x1: {  	s0 =	rddreg [dreg:$0x0]  }
0x2: {  	s1 =	rddreg [dreg:$0x1]  }
0x3: {  	s3 =	rddreg [dreg:$0x2]  }
0x4: {  	s2 =	srdreg.scid;
	s4 =	rddreg [dreg:$0x3]  }
0x5: {  	s13 =	stileid.u32;
	s6 =	rddreg [dreg:$0x4];
	s15 =	simm.s32 $0x280  }
0x6: {  	s28 =	simm.s32 $0xA500;
	s29 =	simm.s32 $0x300;
	s30 =	simm.s32 $0xC500  }
0x7: {  	s31 =	simm.s32 $0x380;
	s5 =	sand.u32 $0x1, s2;
	s20 =	smul.u32 $0xC8000, s13  }
0x8: {  	s16 =	sshll.u32 s13, $0x1;
	s2 =	simm.s32 $0x0;
	s23 =	smul.u32 $0x1900, s13  }
0x9: {  	s3 =	sadd.s32 $0xF42C00, s3;
	s13 =	simm.s32 $0x0;
	s21 =	smul.u32 $0x64000, s5  }
0xa: {  	s7 =	sor.u32 s5, s16;
	[smem:$0x7FF] =	sst s2;
	s24 =	smul.u32 $0xC80, s5  }
0xb: {  	s9 =	ssub.s32 $0x2, s5;
	s16 =	simm.s32 $0x5;
	s8 =	smul.u32 $0xC80, s7  }
0xc: {  	s7 =	smul.u32 $0x320000, s7;
	s10 =	sshrl.u32 s9, $0x1;
	s25 =	sadd.s32 s20, s6  }
0xd: {  	_ =	strace $0x80000047;
	s9 =	ssub.s32 s9, s10;
	s5 =	sadd.s32 s21, s25  }
0xe: {  	s25 =	simm.s32 $0x8500;
	s17 =	sor.u32 $0x50, s8;
	s7 =	sshrl.u32 s7, $0x3  }
0xf: {  	s11 =	sadd.s32 s0, s8;
	s8 =	sadd.s32 s1, s8;
	[dreg:$0x7] =	wrdreg s5  }
0x10: {  	s9 =	smax.u32 s9, $0x1;
	s5 =	simm.s32 $0x480;
	[dreg:$0x8] =	wrdreg s11  }
0x11: {  	s18 =	sadd.s32 s0, s17;
	s19 =	sadd.s32 $0x5F000, s7;
	[dreg:$0xc] =	wrdreg s8  }
0x12: {  	s7 =	sadd.s32 $0x61800, s7;
	s10 =	sadd.s32 s1, s17;
	[dreg:$0x10] =	wrdreg s9  }
0x13: {  	s0 =	sadd.s32 s23, s0;
	s1 =	sadd.s32 s23, s1;
	s17 =	simm.s32 $0x80  }
0x14: {  	s23 =	simm.s32 $0x6500;
	s8 =	simm.s32 $0x40;
	s9 =	simm.s32 $0x3  }
0x15: {  	s11 =	simm.s32 $0x4;
	[dreg:$0x9] =	wrdreg s18;
	s12 =	sadd.s32 s4, s19  }
0x16: {  	s14 =	sadd.s32 s4, s7;
	[dreg:$0xd] =	wrdreg s10;
	s22 =	sadd.s32 s6, s19  }
0x17: {  	s4 =	sadd.s32 s20, s4;
	s7 =	sadd.s32 s6, s7;
	s0 =	sadd.s32 s24, s0  }
0x18: {  	s1 =	sadd.s32 s24, s1;
	s18 =	simm.s32 $0x500;
	[dreg:$0xa] =	wrdreg s12  }
0x19: {  	s19 =	simm.s32 $0x2500;
	s20 =	simm.s32 $0x100;
	[dreg:$0xb] =	wrdreg s14  }
0x1a: {  	s24 =	simm.s32 $0x200;
	s6 =	simm.s32 $0x12500;
	[dreg:$0xe] =	wrdreg s22  }
0x1b: {  	s10 =	simm.s32 $0x2;
	[dreg:$0xf] =	wrdreg s7;
	s4 =	sadd.s32 s21, s4  }
0x1c: {  	s0 =	sadd.s32 $0xF0, s0;
	s26 =	sadd.s32 $0xF0, s1;
	[dreg:$0x6] =	wrdreg s4  }
0x1d: {  	s21 =	simm.s32 $0x4500;
	s22 =	simm.s32 $0x180;
	[dreg:$0x11] =	wrdreg s0  }
0x1e: {  	s1 =	simm.s32 $0xE500;
	s7 =	simm.s32 $0x1;
	[dreg:$0x12] =	wrdreg s26  }
0x1f: {  	s26 =	simm.s32 $0x6;
	s0 =	simm.s32 $0x400;
	s4 =	simm.s32 $0x10500  }
.LBB2_1:
0x20: {  	[dreg:$0x13] =	wrdreg s13  }
0x21: {  	s12 =	rddreg [dreg:$0x8]  }
0x22: {  	[tilespmem:s2], [sflag:$0x5] =	stream.linear.gather [hbm4b:s12+s2], $0x280, $0x38;
	[tilespmem:$0x14500] =	vst v63  }
0x23: {  	s14 =	rddreg [dreg:$0x9]  }
0x24: {  	[tilespmem:s15], [sflag:$0x6] =	stream.linear.gather [hbm4b:s14+s2], $0x280, $0x38;
	[tilespmem:$0x14500] =	vst v63  }
0x25: {  	_ =	swait.ge [sflag:s16], $0x280  }
0x26: {  	[sflag:s16] =	ssyncset.done $0x0  }
0x27: {  	[sflag:s16] =	ssyncadd.s32 $0xFFFFFD80  }
0x28: {  	[tilespmem:s18], [sflag:$0x1] =	stream.indirect.gather [hbm4b:s3+s17], $0x40, s2, s17, $0xb8;
	[tilespmem:$0x14500] =	vst v63  }
0x29: {  	_ = 	snop  }
0x2a: {  	[tilespmem:s19], [sflag:$0x1] =	stream.indirect.gather [hbm4b:s3+s17], $0x40, s17, s17, $0xb8;
	[tilespmem:$0x14500] =	vst v63  }
0x2b: {  	_ = 	snop  }
0x2c: {  	[tilespmem:s21], [sflag:$0x1] =	stream.indirect.gather [hbm4b:s3+s17], $0x40, s20, s17, $0xb8;
	[tilespmem:$0x14500] =	vst v63  }
0x2d: {  	_ = 	snop  }
0x2e: {  	[tilespmem:s23], [sflag:$0x1] =	stream.indirect.gather [hbm4b:s3+s17], $0x40, s22, s17, $0xb8;
	[tilespmem:$0x14500] =	vst v63  }
0x2f: {  	_ = 	snop  }
0x30: {  	[tilespmem:s25], [sflag:$0x1] =	stream.indirect.gather [hbm4b:s3+s17], $0x40, s24, s17, $0xb8;
	[tilespmem:$0x14500] =	vst v63  }
0x31: {  	_ =	swait.ge [sflag:s26], $0x280  }
0x32: {  	[sflag:s26] =	ssyncset.done $0x0  }
0x33: {  	[sflag:s26] =	ssyncadd.s32 $0xFFFFFD80  }
0x34: {  	[tilespmem:s28], [sflag:$0x2] =	stream.indirect.gather [hbm4b:s3+s17], $0x40, s15, s17, $0xb8;
	[tilespmem:$0x14500] =	vst v63  }
0x35: {  	_ = 	snop  }
0x36: {  	[tilespmem:s30], [sflag:$0x2] =	stream.indirect.gather [hbm4b:s3+s17], $0x40, s29, s17, $0xb8;
	[tilespmem:$0x14500] =	vst v63  }
0x37: {  	_ = 	snop  }
0x38: {  	[tilespmem:s1], [sflag:$0x2] =	stream.indirect.gather [hbm4b:s3+s17], $0x40, s31, s17, $0xb8;
	[tilespmem:$0x14500] =	vst v63  }
0x39: {  	_ = 	snop  }
0x3a: {  	[tilespmem:s4], [sflag:$0x2] =	stream.indirect.gather [hbm4b:s3+s17], $0x40, s0, s17, $0xb8;
	[tilespmem:$0x14500] =	vst v63  }
0x3b: {  	_ = 	snop  }
0x3c: {  	[tilespmem:s6], [sflag:$0x2] =	stream.indirect.gather [hbm4b:s3+s17], $0x40, s5, s17, $0xb8;
	[tilespmem:$0x14500] =	vst v63  }
0x3d: {  	_ =	swait.ge [sflag:s7], $0xA000  }
0x3e: {  	[sflag:s7] =	ssyncset.done $0x0;
	s12 =	rddreg [dreg:$0x11]  }
0x3f: {  	s13 =	rddreg [dreg:$0x6];
	[sflag:s7] =	ssyncadd.s32 $0xFFFF6000;
	s14 =	sadd.s32 $0xFFFFFFB0, s12  }
0x40: {  	[tilespmem:s2], [sflag:$0x5] =	stream.linear.gather [hbm4b:s14+s2], $0x280, $0x38;
	[tilespmem:$0x14500] =	vst v63  }
0x41: {  	s13 =	sadd.s32 $0x0, s13  }
0x42: {  	[hbm4b:s13+s8] =	stream.strided.scatter [tilespmem:s18], [sflag:$0x3], $0xA000, s17, s8, $0x38;
	[tilespmem:$0x14500] =	vst v63  }
0x43: {  	_ =	swait.ge [sflag:s9], $0xA000  }
0x44: {  	[sflag:s9] =	ssyncset.done $0x0  }
0x45: {  	[sflag:s9] =	ssyncadd.s32 $0xFFFF6000  }
0x46: {  	_ =	swait.ge [sflag:s16], $0x280  }
0x47: {  	[sflag:s16] =	ssyncset.done $0x0  }
0x48: {  	[sflag:s16] =	ssyncadd.s32 $0xFFFFFD80  }
0x49: {  	[tilespmem:s18], [sflag:$0x1] =	stream.indirect.gather [hbm4b:s3+s17], $0x40, s2, s17, $0xb8;
	[tilespmem:$0x14500] =	vst v63  }
0x4a: {  	_ = 	snop  }
0x4b: {  	[tilespmem:s19], [sflag:$0x1] =	stream.indirect.gather [hbm4b:s3+s17], $0x40, s17, s17, $0xb8;
	[tilespmem:$0x14500] =	vst v63  }
0x4c: {  	_ = 	snop  }
0x4d: {  	[tilespmem:s21], [sflag:$0x1] =	stream.indirect.gather [hbm4b:s3+s17], $0x40, s20, s17, $0xb8;
	[tilespmem:$0x14500] =	vst v63  }
0x4e: {  	_ = 	snop  }
0x4f: {  	[tilespmem:s23], [sflag:$0x1] =	stream.indirect.gather [hbm4b:s3+s17], $0x40, s22, s17, $0xb8;
	[tilespmem:$0x14500] =	vst v63  }
0x50: {  	_ = 	snop  }
0x51: {  	[tilespmem:s25], [sflag:$0x1] =	stream.indirect.gather [hbm4b:s3+s17], $0x40, s24, s17, $0xb8;
	[tilespmem:$0x14500] =	vst v63  }
0x52: {  	_ =	swait.ge [sflag:s10], $0xA000  }
0x53: {  	[sflag:s10] =	ssyncset.done $0x0  }
0x54: {  	[sflag:s10] =	ssyncadd.s32 $0xFFFF6000  }
0x55: {  	[tilespmem:s15], [sflag:$0x6] =	stream.linear.gather [hbm4b:s12+s2], $0x280, $0x38;
	[tilespmem:$0x14500] =	vst v63  }
0x56: {  	s13 =	sadd.s32 $0x2800, s13  }
0x57: {  	[hbm4b:s13+s8] =	stream.strided.scatter [tilespmem:s28], [sflag:$0x4], $0xA000, s17, s8, $0x38;
	[tilespmem:$0x14500] =	vst v63  }
0x58: {  	_ =	swait.ge [sflag:s11], $0xA000  }
0x59: {  	[sflag:s11] =	ssyncset.done $0x0  }
0x5a: {  	[sflag:s11] =	ssyncadd.s32 $0xFFFF6000  }
0x5b: {  	_ =	swait.ge [sflag:s26], $0x280  }
0x5c: {  	[sflag:s26] =	ssyncset.done $0x0  }
0x5d: {  	[sflag:s26] =	ssyncadd.s32 $0xFFFFFD80  }
0x5e: {  	[tilespmem:s28], [sflag:$0x2] =	stream.indirect.gather [hbm4b:s3+s17], $0x40, s15, s17, $0xb8;
	[tilespmem:$0x14500] =	vst v63  }
0x5f: {  	_ = 	snop  }
0x60: {  	[tilespmem:s30], [sflag:$0x2] =	stream.indirect.gather [hbm4b:s3+s17], $0x40, s29, s17, $0xb8;
	[tilespmem:$0x14500] =	vst v63  }
0x61: {  	_ = 	snop  }
0x62: {  	[tilespmem:s1], [sflag:$0x2] =	stream.indirect.gather [hbm4b:s3+s17], $0x40, s31, s17, $0xb8;
	[tilespmem:$0x14500] =	vst v63  }
0x63: {  	s14 =	sadd.s32 $0xA0, s12;
	s13 =	simm.s32 $0x5000  }
0x64: {  	[tilespmem:s4], [sflag:$0x2] =	stream.indirect.gather [hbm4b:s3+s17], $0x40, s0, s17, $0xb8;
	[tilespmem:$0x14500] =	vst v63  }
.LBB2_2:
0x65: {  	[tilespmem:s6], [sflag:$0x2] =	stream.indirect.gather [hbm4b:s3+s17], $0x40, s5, s17, $0xb8;
	[tilespmem:$0x14500] =	vst v63  }
0x66: {  	_ =	swait.ge [sflag:s7], $0xA000  }
0x67: {  	s12 =	smov.u32 s13;
	[sflag:s7] =	ssyncset.done $0x0  }
0x68: {  	s20 =	sadd.s32 $0xFFFFFFB0, s14;
	s19 =	rddreg [dreg:$0x6];
	[sflag:s7] =	ssyncadd.s32 $0xFFFF6000  }
0x69: {  	[tilespmem:s2], [sflag:$0x5] =	stream.linear.gather [hbm4b:s20+s2], $0x280, $0x38;
	[tilespmem:$0x14500] =	vst v63  }
0x6a: {  	s12 =	sadd.s32 s12, s19  }
0x6b: {  	[hbm4b:s12+s8] =	stream.strided.scatter [tilespmem:s18], [sflag:$0x3], $0xA000, s17, s8, $0x38;
	[tilespmem:$0x14500] =	vst v63  }
0x6c: {  	_ =	swait.ge [sflag:s9], $0xA000  }
0x6d: {  	[sflag:s9] =	ssyncset.done $0x0  }
0x6e: {  	[sflag:s9] =	ssyncadd.s32 $0xFFFF6000  }
0x6f: {  	_ =	swait.ge [sflag:s16], $0x280  }
0x70: {  	[sflag:s16] =	ssyncset.done $0x0  }
0x71: {  	[sflag:s16] =	ssyncadd.s32 $0xFFFFFD80  }
0x72: {  	[tilespmem:s18], [sflag:$0x1] =	stream.indirect.gather [hbm4b:s3+s17], $0x40, s2, s17, $0xb8;
	[tilespmem:$0x14500] =	vst v63  }
0x73: {  	s19 =	simm.s32 $0x2500  }
0x74: {  	[tilespmem:s19], [sflag:$0x1] =	stream.indirect.gather [hbm4b:s3+s17], $0x40, s17, s17, $0xb8;
	[tilespmem:$0x14500] =	vst v63  }
0x75: {  	s20 =	simm.s32 $0x100  }
0x76: {  	[tilespmem:s21], [sflag:$0x1] =	stream.indirect.gather [hbm4b:s3+s17], $0x40, s20, s17, $0xb8;
	[tilespmem:$0x14500] =	vst v63  }
0x77: {  	_ = 	snop  }
0x78: {  	[tilespmem:s23], [sflag:$0x1] =	stream.indirect.gather [hbm4b:s3+s17], $0x40, s22, s17, $0xb8;
	[tilespmem:$0x14500] =	vst v63  }
0x79: {  	_ = 	snop  }
0x7a: {  	[tilespmem:s25], [sflag:$0x1] =	stream.indirect.gather [hbm4b:s3+s17], $0x40, s24, s17, $0xb8;
	[tilespmem:$0x14500] =	vst v63  }
0x7b: {  	_ =	swait.ge [sflag:s10], $0xA000  }
0x7c: {  	[sflag:s10] =	ssyncset.done $0x0  }
0x7d: {  	[sflag:s10] =	ssyncadd.s32 $0xFFFF6000  }
0x7e: {  	[tilespmem:s15], [sflag:$0x6] =	stream.linear.gather [hbm4b:s14+s2], $0x280, $0x38;
	[tilespmem:$0x14500] =	vst v63  }
0x7f: {  	s12 =	sadd.s32 $0x2800, s12  }
0x80: {  	[hbm4b:s12+s8] =	stream.strided.scatter [tilespmem:s28], [sflag:$0x4], $0xA000, s17, s8, $0x38;
	[tilespmem:$0x14500] =	vst v63  }
0x81: {  	_ =	swait.ge [sflag:s11], $0xA000  }
0x82: {  	[sflag:s11] =	ssyncset.done $0x0  }
0x83: {  	[sflag:s11] =	ssyncadd.s32 $0xFFFF6000  }
0x84: {  	_ =	swait.ge [sflag:s26], $0x280  }
0x85: {  	[sflag:s26] =	ssyncset.done $0x0  }
0x86: {  	[sflag:s26] =	ssyncadd.s32 $0xFFFFFD80  }
0x87: {  	[tilespmem:s28], [sflag:$0x2] =	stream.indirect.gather [hbm4b:s3+s17], $0x40, s15, s17, $0xb8;
	[tilespmem:$0x14500] =	vst v63  }
0x88: {  	p0 =	sne.s32 s13, $0x5A000  }
0x89: {  	[tilespmem:s30], [sflag:$0x2] =	stream.indirect.gather [hbm4b:s3+s17], $0x40, s29, s17, $0xb8;
	[tilespmem:$0x14500] =	vst v63  }
.Ltmp0:
0x8a: {  	_ = 	snop;
	(pc) =	sbr.rel @p0 .LBB2_2-.Ltmp0, $4  }
0x8b: {  	_ = 	snop  }
0x8c: {  	[tilespmem:s1], [sflag:$0x2] =	stream.indirect.gather [hbm4b:s3+s17], $0x40, s31, s17, $0xb8;
	[tilespmem:$0x14500] =	vst v63  }
0x8d: {  	s13 =	sadd.s32 $0x5000, s13;
	s14 =	sadd.s32 $0xA0, s14  }
0x8e: {  	[tilespmem:s4], [sflag:$0x2] =	stream.indirect.gather [hbm4b:s3+s17], $0x40, s0, s17, $0xb8;
	[tilespmem:$0x14500] =	vst v63  }
0x8f: {  	[tilespmem:s6], [sflag:$0x2] =	stream.indirect.gather [hbm4b:s3+s17], $0x40, s5, s17, $0xb8;
	[tilespmem:$0x14500] =	vst v63  }
0x90: {  	_ =	swait.ge [sflag:s7], $0xA000  }
0x91: {  	[sflag:s7] =	ssyncset.done $0x0  }
0x92: {  	s12 =	rddreg [dreg:$0xa];
	[sflag:s7] =	ssyncadd.s32 $0xFFFF6000  }
0x93: {  	[hbm4b:s12+s8] =	stream.strided.scatter [tilespmem:s18], [sflag:$0x3], $0xA000, s17, s8, $0x38;
	[tilespmem:$0x14500] =	vst v63  }
0x94: {  	_ =	swait.ge [sflag:s9], $0xA000  }
0x95: {  	[sflag:s9] =	ssyncset.done $0x0  }
0x96: {  	[sflag:s9] =	ssyncadd.s32 $0xFFFF6000  }
0x97: {  	_ =	swait.ge [sflag:s10], $0xA000  }
0x98: {  	[sflag:s10] =	ssyncset.done $0x0  }
0x99: {  	s13 =	rddreg [dreg:$0xb];
	[sflag:s10] =	ssyncadd.s32 $0xFFFF6000  }
0x9a: {  	[hbm4b:s13+s8] =	stream.strided.scatter [tilespmem:s28], [sflag:$0x4], $0xA000, s17, s8, $0x38;
	[tilespmem:$0x14500] =	vst v63  }
0x9b: {  	_ =	swait.ge [sflag:s11], $0xA000  }
0x9c: {  	[sflag:s11] =	ssyncset.done $0x0  }
0x9d: {  	s12 =	simm.s32 $0x0;
	s13 =	rddreg [dreg:$0xc];
	[sflag:s11] =	ssyncadd.s32 $0xFFFF6000  }
0x9e: {  	[tilespmem:s12], [sflag:$0x5] =	stream.linear.gather [hbm4b:s13+s12], $0x280, $0x38;
	[tilespmem:$0x14500] =	vst v63  }
0x9f: {  	s14 =	rddreg [dreg:$0xd]  }
0xa0: {  	[tilespmem:s15], [sflag:$0x6] =	stream.linear.gather [hbm4b:s14+s12], $0x280, $0x38;
	[tilespmem:$0x14500] =	vst v63  }
0xa1: {  	_ =	swait.ge [sflag:s16], $0x280  }
0xa2: {  	[sflag:s16] =	ssyncset.done $0x0  }
0xa3: {  	[sflag:s16] =	ssyncadd.s32 $0xFFFFFD80  }
0xa4: {  	[tilespmem:s18], [sflag:$0x1] =	stream.indirect.gather [hbm4b:s3+s17], $0x40, s12, s17, $0xb8;
	[tilespmem:$0x14500] =	vst v63  }
0xa5: {  	_ = 	snop  }
0xa6: {  	[tilespmem:s19], [sflag:$0x1] =	stream.indirect.gather [hbm4b:s3+s17], $0x40, s17, s17, $0xb8;
	[tilespmem:$0x14500] =	vst v63  }
0xa7: {  	_ = 	snop  }
0xa8: {  	[tilespmem:s21], [sflag:$0x1] =	stream.indirect.gather [hbm4b:s3+s17], $0x40, s20, s17, $0xb8;
	[tilespmem:$0x14500] =	vst v63  }
0xa9: {  	_ = 	snop  }
0xaa: {  	[tilespmem:s23], [sflag:$0x1] =	stream.indirect.gather [hbm4b:s3+s17], $0x40, s22, s17, $0xb8;
	[tilespmem:$0x14500] =	vst v63  }
0xab: {  	_ = 	snop  }
0xac: {  	[tilespmem:s25], [sflag:$0x1] =	stream.indirect.gather [hbm4b:s3+s17], $0x40, s24, s17, $0xb8;
	[tilespmem:$0x14500] =	vst v63  }
0xad: {  	_ =	swait.ge [sflag:s26], $0x280  }
0xae: {  	[sflag:s26] =	ssyncset.done $0x0  }
0xaf: {  	[sflag:s26] =	ssyncadd.s32 $0xFFFFFD80  }
0xb0: {  	[tilespmem:s28], [sflag:$0x2] =	stream.indirect.gather [hbm4b:s3+s17], $0x40, s15, s17, $0xb8;
	[tilespmem:$0x14500] =	vst v63  }
0xb1: {  	_ = 	snop  }
0xb2: {  	[tilespmem:s30], [sflag:$0x2] =	stream.indirect.gather [hbm4b:s3+s17], $0x40, s29, s17, $0xb8;
	[tilespmem:$0x14500] =	vst v63  }
0xb3: {  	_ = 	snop  }
0xb4: {  	[tilespmem:s1], [sflag:$0x2] =	stream.indirect.gather [hbm4b:s3+s17], $0x40, s31, s17, $0xb8;
	[tilespmem:$0x14500] =	vst v63  }
0xb5: {  	_ = 	snop  }
0xb6: {  	[tilespmem:s4], [sflag:$0x2] =	stream.indirect.gather [hbm4b:s3+s17], $0x40, s0, s17, $0xb8;
	[tilespmem:$0x14500] =	vst v63  }
0xb7: {  	_ = 	snop  }
0xb8: {  	[tilespmem:s6], [sflag:$0x2] =	stream.indirect.gather [hbm4b:s3+s17], $0x40, s5, s17, $0xb8;
	[tilespmem:$0x14500] =	vst v63  }
0xb9: {  	_ =	swait.ge [sflag:s7], $0xA000  }
0xba: {  	[sflag:s7] =	ssyncset.done $0x0;
	s14 =	rddreg [dreg:$0x12]  }
0xbb: {  	s12 =	rddreg [dreg:$0x7];
	[sflag:s7] =	ssyncadd.s32 $0xFFFF6000;
	s13 =	sadd.s32 $0xFFFFFFB0, s14  }
0xbc: {  	[tilespmem:s2], [sflag:$0x5] =	stream.linear.gather [hbm4b:s13+s2], $0x280, $0x38;
	[tilespmem:$0x14500] =	vst v63  }
0xbd: {  	s12 =	sadd.s32 $0x0, s12  }
0xbe: {  	[hbm4b:s12+s8] =	stream.strided.scatter [tilespmem:s18], [sflag:$0x3], $0xA000, s17, s8, $0x38;
	[tilespmem:$0x14500] =	vst v63  }
0xbf: {  	_ =	swait.ge [sflag:s9], $0xA000  }
0xc0: {  	[sflag:s9] =	ssyncset.done $0x0  }
0xc1: {  	[sflag:s9] =	ssyncadd.s32 $0xFFFF6000  }
0xc2: {  	_ =	swait.ge [sflag:s16], $0x280  }
0xc3: {  	[sflag:s16] =	ssyncset.done $0x0  }
0xc4: {  	[sflag:s16] =	ssyncadd.s32 $0xFFFFFD80  }
0xc5: {  	[tilespmem:s18], [sflag:$0x1] =	stream.indirect.gather [hbm4b:s3+s17], $0x40, s2, s17, $0xb8;
	[tilespmem:$0x14500] =	vst v63  }
0xc6: {  	_ = 	snop  }
0xc7: {  	[tilespmem:s19], [sflag:$0x1] =	stream.indirect.gather [hbm4b:s3+s17], $0x40, s17, s17, $0xb8;
	[tilespmem:$0x14500] =	vst v63  }
0xc8: {  	_ = 	snop  }
0xc9: {  	[tilespmem:s21], [sflag:$0x1] =	stream.indirect.gather [hbm4b:s3+s17], $0x40, s20, s17, $0xb8;
	[tilespmem:$0x14500] =	vst v63  }
0xca: {  	_ = 	snop  }
0xcb: {  	[tilespmem:s23], [sflag:$0x1] =	stream.indirect.gather [hbm4b:s3+s17], $0x40, s22, s17, $0xb8;
	[tilespmem:$0x14500] =	vst v63  }
0xcc: {  	_ = 	snop  }
0xcd: {  	[tilespmem:s25], [sflag:$0x1] =	stream.indirect.gather [hbm4b:s3+s17], $0x40, s24, s17, $0xb8;
	[tilespmem:$0x14500] =	vst v63  }
0xce: {  	_ =	swait.ge [sflag:s10], $0xA000  }
0xcf: {  	[sflag:s10] =	ssyncset.done $0x0  }
0xd0: {  	[sflag:s10] =	ssyncadd.s32 $0xFFFF6000  }
0xd1: {  	[tilespmem:s15], [sflag:$0x6] =	stream.linear.gather [hbm4b:s14+s2], $0x280, $0x38;
	[tilespmem:$0x14500] =	vst v63  }
0xd2: {  	s12 =	sadd.s32 $0x2800, s12  }
0xd3: {  	[hbm4b:s12+s8] =	stream.strided.scatter [tilespmem:s28], [sflag:$0x4], $0xA000, s17, s8, $0x38;
	[tilespmem:$0x14500] =	vst v63  }
0xd4: {  	_ =	swait.ge [sflag:s11], $0xA000  }
0xd5: {  	[sflag:s11] =	ssyncset.done $0x0  }
0xd6: {  	[sflag:s11] =	ssyncadd.s32 $0xFFFF6000  }
0xd7: {  	_ =	swait.ge [sflag:s26], $0x280  }
0xd8: {  	[sflag:s26] =	ssyncset.done $0x0  }
0xd9: {  	[sflag:s26] =	ssyncadd.s32 $0xFFFFFD80  }
0xda: {  	[tilespmem:s28], [sflag:$0x2] =	stream.indirect.gather [hbm4b:s3+s17], $0x40, s15, s17, $0xb8;
	[tilespmem:$0x14500] =	vst v63  }
0xdb: {  	_ = 	snop  }
0xdc: {  	[tilespmem:s30], [sflag:$0x2] =	stream.indirect.gather [hbm4b:s3+s17], $0x40, s29, s17, $0xb8;
	[tilespmem:$0x14500] =	vst v63  }
0xdd: {  	_ = 	snop  }
0xde: {  	[tilespmem:s1], [sflag:$0x2] =	stream.indirect.gather [hbm4b:s3+s17], $0x40, s31, s17, $0xb8;
	[tilespmem:$0x14500] =	vst v63  }
0xdf: {  	s13 =	simm.s32 $0x5000;
	s14 =	sadd.s32 $0xA0, s14  }
0xe0: {  	[tilespmem:s4], [sflag:$0x2] =	stream.indirect.gather [hbm4b:s3+s17], $0x40, s0, s17, $0xb8;
	[tilespmem:$0x14500] =	vst v63  }
.LBB2_4:
0xe1: {  	[tilespmem:s6], [sflag:$0x2] =	stream.indirect.gather [hbm4b:s3+s17], $0x40, s5, s17, $0xb8;
	[tilespmem:$0x14500] =	vst v63  }
0xe2: {  	_ =	swait.ge [sflag:s7], $0xA000  }
0xe3: {  	s12 =	smov.u32 s13;
	[sflag:s7] =	ssyncset.done $0x0  }
0xe4: {  	s20 =	sadd.s32 $0xFFFFFFB0, s14;
	s19 =	rddreg [dreg:$0x7];
	[sflag:s7] =	ssyncadd.s32 $0xFFFF6000  }
0xe5: {  	[tilespmem:s2], [sflag:$0x5] =	stream.linear.gather [hbm4b:s20+s2], $0x280, $0x38;
	[tilespmem:$0x14500] =	vst v63  }
0xe6: {  	s12 =	sadd.s32 s12, s19  }
0xe7: {  	[hbm4b:s12+s8] =	stream.strided.scatter [tilespmem:s18], [sflag:$0x3], $0xA000, s17, s8, $0x38;
	[tilespmem:$0x14500] =	vst v63  }
0xe8: {  	_ =	swait.ge [sflag:s9], $0xA000  }
0xe9: {  	[sflag:s9] =	ssyncset.done $0x0  }
0xea: {  	[sflag:s9] =	ssyncadd.s32 $0xFFFF6000  }
0xeb: {  	_ =	swait.ge [sflag:s16], $0x280  }
0xec: {  	[sflag:s16] =	ssyncset.done $0x0  }
0xed: {  	[sflag:s16] =	ssyncadd.s32 $0xFFFFFD80  }
0xee: {  	[tilespmem:s18], [sflag:$0x1] =	stream.indirect.gather [hbm4b:s3+s17], $0x40, s2, s17, $0xb8;
	[tilespmem:$0x14500] =	vst v63  }
0xef: {  	s19 =	simm.s32 $0x2500  }
0xf0: {  	[tilespmem:s19], [sflag:$0x1] =	stream.indirect.gather [hbm4b:s3+s17], $0x40, s17, s17, $0xb8;
	[tilespmem:$0x14500] =	vst v63  }
0xf1: {  	s20 =	simm.s32 $0x100  }
0xf2: {  	[tilespmem:s21], [sflag:$0x1] =	stream.indirect.gather [hbm4b:s3+s17], $0x40, s20, s17, $0xb8;
	[tilespmem:$0x14500] =	vst v63  }
0xf3: {  	_ = 	snop  }
0xf4: {  	[tilespmem:s23], [sflag:$0x1] =	stream.indirect.gather [hbm4b:s3+s17], $0x40, s22, s17, $0xb8;
	[tilespmem:$0x14500] =	vst v63  }
0xf5: {  	_ = 	snop  }
0xf6: {  	[tilespmem:s25], [sflag:$0x1] =	stream.indirect.gather [hbm4b:s3+s17], $0x40, s24, s17, $0xb8;
	[tilespmem:$0x14500] =	vst v63  }
0xf7: {  	_ =	swait.ge [sflag:s10], $0xA000  }
0xf8: {  	[sflag:s10] =	ssyncset.done $0x0  }
0xf9: {  	[sflag:s10] =	ssyncadd.s32 $0xFFFF6000  }
0xfa: {  	[tilespmem:s15], [sflag:$0x6] =	stream.linear.gather [hbm4b:s14+s2], $0x280, $0x38;
	[tilespmem:$0x14500] =	vst v63  }
0xfb: {  	s12 =	sadd.s32 $0x2800, s12  }
0xfc: {  	[hbm4b:s12+s8] =	stream.strided.scatter [tilespmem:s28], [sflag:$0x4], $0xA000, s17, s8, $0x38;
	[tilespmem:$0x14500] =	vst v63  }
0xfd: {  	_ =	swait.ge [sflag:s11], $0xA000  }
0xfe: {  	[sflag:s11] =	ssyncset.done $0x0  }
0xff: {  	[sflag:s11] =	ssyncadd.s32 $0xFFFF6000  }
0x100: {  	_ =	swait.ge [sflag:s26], $0x280  }
0x101: {  	[sflag:s26] =	ssyncset.done $0x0  }
0x102: {  	[sflag:s26] =	ssyncadd.s32 $0xFFFFFD80  }
0x103: {  	[tilespmem:s28], [sflag:$0x2] =	stream.indirect.gather [hbm4b:s3+s17], $0x40, s15, s17, $0xb8;
	[tilespmem:$0x14500] =	vst v63  }
0x104: {  	p0 =	sne.s32 s13, $0x5A000  }
0x105: {  	[tilespmem:s30], [sflag:$0x2] =	stream.indirect.gather [hbm4b:s3+s17], $0x40, s29, s17, $0xb8;
	[tilespmem:$0x14500] =	vst v63  }
.Ltmp1:
0x106: {  	_ = 	snop;
	(pc) =	sbr.rel @p0 .LBB2_4-.Ltmp1, $4  }
0x107: {  	_ = 	snop  }
0x108: {  	[tilespmem:s1], [sflag:$0x2] =	stream.indirect.gather [hbm4b:s3+s17], $0x40, s31, s17, $0xb8;
	[tilespmem:$0x14500] =	vst v63  }
0x109: {  	s13 =	sadd.s32 $0x5000, s13;
	s14 =	sadd.s32 $0xA0, s14  }
0x10a: {  	[tilespmem:s4], [sflag:$0x2] =	stream.indirect.gather [hbm4b:s3+s17], $0x40, s0, s17, $0xb8;
	[tilespmem:$0x14500] =	vst v63  }
0x10b: {  	[tilespmem:s6], [sflag:$0x2] =	stream.indirect.gather [hbm4b:s3+s17], $0x40, s5, s17, $0xb8;
	[tilespmem:$0x14500] =	vst v63  }
0x10c: {  	_ =	swait.ge [sflag:s7], $0xA000  }
0x10d: {  	[sflag:s7] =	ssyncset.done $0x0  }
0x10e: {  	s12 =	rddreg [dreg:$0xe];
	[sflag:s7] =	ssyncadd.s32 $0xFFFF6000  }
0x10f: {  	[hbm4b:s12+s8] =	stream.strided.scatter [tilespmem:s18], [sflag:$0x3], $0xA000, s17, s8, $0x38;
	[tilespmem:$0x14500] =	vst v63  }
0x110: {  	_ =	swait.ge [sflag:s9], $0xA000  }
0x111: {  	[sflag:s9] =	ssyncset.done $0x0  }
0x112: {  	[sflag:s9] =	ssyncadd.s32 $0xFFFF6000  }
0x113: {  	_ =	swait.ge [sflag:s10], $0xA000  }
0x114: {  	[sflag:s10] =	ssyncset.done $0x0  }
0x115: {  	s13 =	rddreg [dreg:$0xf];
	[sflag:s10] =	ssyncadd.s32 $0xFFFF6000  }
0x116: {  	[hbm4b:s13+s8] =	stream.strided.scatter [tilespmem:s28], [sflag:$0x4], $0xA000, s17, s8, $0x38;
	[tilespmem:$0x14500] =	vst v63  }
0x117: {  	_ =	swait.ge [sflag:s11], $0xA000  }
0x118: {  	s13 =	rddreg [dreg:$0x13]  }
0x119: {  	s14 =	rddreg [dreg:$0x10];
	s13 =	sadd.s32 $0x1, s13  }
0x11a: {  	p0 =	sne.s32 s13, s14  }
.Ltmp2:
0x11b: {  	_ = 	snop;
	(pc) =	sbr.rel @p0 .LBB2_1-.Ltmp2, $3  }
0x11c: {  	_ =	sdelay $0x1  }
0x11d: {  	[sflag:s11] =	ssyncset.done $0x0  }
0x11e: {  	[sflag:s11] =	ssyncadd.s32 $0xFFFF6000  }
0x11f: {  	_ =	sfence.sel $0x180000  }
0x120: {  	[bflag:$0x0] =	sbarrier.arrive $0xFFFF  }
0x121: {  	_ =	strace $0x90000047  }
0x122: {  	s0 =	stileid.u32;
	[bflag:$0x2] =	sbarrier.arrive $0xFFFF  }
0x123: {  	p0 =	sne.s32 s0, $0x0;
	s0 =	rddreg [dreg:$0x5]  }
0x124: {  	s0 =	sadd.s32 @!p0 $0x100000, s0  }
0x125: {  	[sflag:s0] =	ssyncadd.tile.s32 @!p0 $0x1;
	_ =	shalt  }
.Lfunc_end2:
_tile_overlayer_lowered:
.L_overlay_start_2:
0x126: {  	(tag) =	ssettag $0x2  }
0x127: {  	s0 =	rddreg [dreg:$0x0];
	s2 =	stileid.u32  }
0x128: {  	s1 =	rddreg [dreg:$0x1];
	p0 =	sne.s32 s2, $0x0  }
0x129: {  	s3 =	rddreg [dreg:$0x2];
	[bflag:$0x3] =	sbarrier.arrive $0xFFFF;
	s2 =	simm.s32 @!p0 $0x1C07  }
0x12a: {  	[timem:s3], [sflag:s2] =	dma.local @!p0 [hbm:s0], s1  }
0x12b: {  	s0 =	simm.s32 @!p0 $0x7  }
0x12c: {  	_ =	swait.ge @!p0 [sflag:s0], s1  }
0x12d: {  	s1 =	ssub.s32 @!p0 $0x0, s1;
	[sflag:s0] =	ssyncset.done @!p0 $0x0  }
0x12e: {  	[sflag:s0] =	ssyncadd.s32 @!p0 s1  }
0x12f: {  	[bflag:$0x3] =	sbarrier.arrive $0xFFFF  }
0x130: {  	_ =	shalt  }

</sc_bundles>
